<compile_context>
chip_gen: v7x
topology: tpu7x:2x2x1
jax: 0.10.2.dev20260603
libtpu: 0.0.44.dev20260713+nightly
codegen_flags: <defaults>
</compile_context>

<pallas_src>
import functools

import jax
import jax.numpy as jnp
from jax import lax
from jax.experimental import pallas as pl
from jax.experimental.pallas import tpu as pltpu
from jax.experimental.pallas import tpu_sc as plsc

_G = 2
_V = 320
_GV = _G * _V
_BT = 1024


def _proj_body(x_ref, w_ref, m_ref, idx0_ref, idx1_ref, counts_ref, perp_ref):
    i = pl.program_id(0)
    n = pl.num_programs(0)
    xa = x_ref[...]
    m_all = (m_ref[...] != 0).astype(jnp.float32)
    maskf = jnp.where(i == 0, m_all[0:1, :], m_all[1:2, :])
    dn = (((1,), (1,)), ((), ()))
    l0 = lax.dot_general(w_ref[0:_V, :], xa, dn,
                         preferred_element_type=jnp.float32)
    l1 = lax.dot_general(w_ref[_V:_GV, :], xa, dn,
                         preferred_element_type=jnp.float32)
    iota = lax.broadcasted_iota(jnp.int32, l0.shape, 0)
    m0 = jnp.max(l0, axis=0, keepdims=True)
    m1 = jnp.max(l1, axis=0, keepdims=True)
    eq0 = l0 == m0
    eq1 = l1 == m1
    idx0 = jnp.min(jnp.where(eq0, iota, _V), axis=0, keepdims=True)
    idx1 = jnp.min(jnp.where(eq1, iota, _V), axis=0, keepdims=True) + _V
    idx0_ref[...] = jnp.reshape(idx0, (_BT // 128, 128))
    idx1_ref[...] = jnp.reshape(idx1, (_BT // 128, 128))

    dn_nt = (((1,), (1,)), ((), ()))
    cnt0 = lax.dot_general(eq0.astype(jnp.float32), maskf, dn_nt,
                           preferred_element_type=jnp.float32)
    cnt1 = lax.dot_general(eq1.astype(jnp.float32), maskf, dn_nt,
                           preferred_element_type=jnp.float32)
    cnt = jnp.concatenate([cnt0, cnt1], axis=1)

    @pl.when(i == 0)
    def _init():
        counts_ref[...] = jnp.zeros_like(counts_ref)

    counts_ref[...] += cnt

    @pl.when(i == n - 1)
    def _finalize():
        c = counts_ref[...]
        mask_total = jnp.sum(c[:, 0:1], axis=(0, 1), keepdims=True)
        p = c / mask_total
        t = p * jnp.log(p + 1e-7)
        h = jnp.sum(t, axis=0, keepdims=True)
        perp_ref[...] = jnp.sum(jnp.exp(-h), axis=1, keepdims=True)


def _proj_argmax(x, w, mask):
    nt, h = x.shape
    nblk = nt // _BT
    nr = _BT // 128
    return pl.pallas_call(
        _proj_body,
        grid=(nblk,),
        in_specs=[
            pl.BlockSpec((_BT, h), lambda i: (i, 0)),
            pl.BlockSpec((_GV, h), lambda i: (0, 0)),
            pl.BlockSpec((2, _BT), lambda i: (0, 0)),
        ],
        out_specs=[
            pl.BlockSpec((nr, 128), lambda i: (i, 0)),
            pl.BlockSpec((nr, 128), lambda i: (i, 0)),
            pl.BlockSpec((_V, _G), lambda i: (0, 0)),
            pl.BlockSpec((1, 1), lambda i: (0, 0)),
        ],
        out_shape=[
            jax.ShapeDtypeStruct((nt // 128, 128), jnp.int32),
            jax.ShapeDtypeStruct((nt // 128, 128), jnp.int32),
            jax.ShapeDtypeStruct((_V, _G), jnp.float32),
            jax.ShapeDtypeStruct((1, 1), jnp.float32),
        ],
    )(x, w, mask)


def _take16(arr, idx):
    dn = lax.GatherDimensionNumbers(
        offset_dims=(), collapsed_slice_dims=(0,), start_index_map=(0,))
    return lax.gather(arr, idx[:, None], dn, slice_sizes=(1,),
                      mode=lax.GatherScatterMode.PROMISE_IN_BOUNDS)


def _sc_gather(table, idx0_flat, idx1_flat):
    ntok, d = idx0_flat.shape[0], table.shape[-1]
    info = plsc.get_sparse_core_info()
    ncores = 1
    nw = ncores * info.num_subcores
    tpw = ntok // nw
    bpw = tpw * _G
    lanes = info.num_lanes

    mesh = plsc.VectorSubcoreMesh(core_axis_name="c", subcore_axis_name="s", num_cores=1)

    @functools.partial(
        pl.kernel,
        mesh=mesh,
        out_type=jax.ShapeDtypeStruct((ntok * _G, d), jnp.float32),
        scratch_types=[
            pltpu.VMEM((tpw,), jnp.int32),
            pltpu.VMEM((tpw,), jnp.int32),
            pltpu.VMEM((bpw,), jnp.int32),
            pltpu.VMEM((bpw, d), jnp.float32),
            pltpu.SemaphoreType.DMA,
        ],
    )
    def k(table_hbm, idx0_hbm, idx1_hbm, out_hbm, i0_v, i1_v, il_v, rows_v, sem):
        wid = lax.axis_index("s") * ncores + lax.axis_index("c")
        tbase = wid * tpw
        pltpu.sync_copy(idx0_hbm.at[pl.ds(tbase, tpw)], i0_v)
        pltpu.sync_copy(idx1_hbm.at[pl.ds(tbase, tpw)], i1_v)
        lane_iota = lax.iota(jnp.int32, lanes)
        half = lane_iota >> 1
        odd = (lane_iota & 1) == 1
        for c in range(bpw // lanes):
            a = i0_v[pl.ds((c // 2) * lanes, lanes)]
            b = i1_v[pl.ds((c // 2) * lanes, lanes)]
            sel = half + (c % 2) * (lanes // 2)
            ga = _take16(a, sel)
            gb = _take16(b, sel)
            il_v[pl.ds(c * lanes, lanes)] = jnp.where(odd, gb, ga)
        pltpu.async_copy(table_hbm.at[il_v], rows_v, sem).wait()
        pltpu.sync_copy(rows_v, out_hbm.at[pl.ds(wid * bpw, bpw)])

    return k(table, idx0_flat, idx1_flat)


def kernel(hidden_states, mask_time_indices, W_proj, b_proj, codevectors):
    bsz, seq, h = hidden_states.shape
    d = codevectors.shape[-1]
    x = hidden_states.reshape(bsz * seq, h)
    mask = mask_time_indices.view(jnp.int8)
    table = codevectors.reshape(_GV, d)
    idx0, idx1, _counts, perp = _proj_argmax(x, W_proj, mask)
    rows = _sc_gather(table, idx0.reshape(-1), idx1.reshape(-1))
    out = rows.reshape(bsz, seq, _G * d)
    return out, perp[0, 0]

# --- scband reference (transcript-rebuilt; emitter-appended) ---
"""Pipeline reference for scband-wav2-vec2-pretrain-model-8899172238061 (READ-ONLY COPY).

The authoritative reference and input builder live on the scoring server;
editing this copy changes nothing except your own understanding.
"""

import jax, jax.numpy as jnp
import numpy as np

INPUT_DIM = 512
CODEVECTOR_DIM = 256
NUM_GROUPS = 2
NUM_VARS = 320


def setup_inputs(seed: int = 0) -> dict:
    key = jax.random.key(seed)
    k1, k2, k3, k4 = jax.random.split(key, 4)
    hidden_states = jax.random.normal(k1, (2, 1024, INPUT_DIM), dtype=jnp.float32)
    mask_time_indices = jax.random.randint(k2, (2, 1024), 0, 2).astype(jnp.bool_)
    # weight_proj: Linear(input_dim -> num_groups*num_vars)
    W_proj = jax.random.normal(k3, (NUM_GROUPS * NUM_VARS, INPUT_DIM), dtype=jnp.float32) * 0.02
    b_proj = jnp.zeros((NUM_GROUPS * NUM_VARS,), dtype=jnp.float32)
    # codevectors: (1, num_groups*num_vars, codevector_dim//num_groups), init uniform_(0,1)
    codevectors = jax.random.uniform(k4, (1, NUM_GROUPS * NUM_VARS, CODEVECTOR_DIM // NUM_GROUPS), dtype=jnp.float32)
    return {
        "hidden_states": hidden_states,
        "mask_time_indices": mask_time_indices,
        "W_proj": W_proj,
        "b_proj": b_proj,
        "codevectors": codevectors,
    }


def _compute_perplexity(probs, mask):
    # probs: (B*S, G, V); mask: (B, S) bool
    mask_ext = mask.reshape(-1)[:, None, None]
    probs = jnp.where(mask_ext, probs, jnp.zeros_like(probs))
    marginal_probs = probs.sum(axis=0) / mask.sum()
    perplexity = jnp.exp(-jnp.sum(marginal_probs * jnp.log(marginal_probs + 1e-7), axis=-1)).sum()
    return perplexity


def reference(hidden_states, mask_time_indices, W_proj, b_proj, codevectors):
    B, S, H = hidden_states.shape
    G, V = NUM_GROUPS, NUM_VARS
    # weight projection
    logits = hidden_states @ W_proj.T + b_proj  # (B, S, G*V)
    hs = logits.reshape(B * S * G, V)
    # eval-mode path: hard argmax one-hot (scatter-overwrite of 1.0)
    codevector_idx = jnp.argmax(hs, axis=-1)  # (B*S*G,)
    codevector_probs = jax.nn.one_hot(codevector_idx, V, dtype=hs.dtype)  # (B*S*G, V)
    probs_g = codevector_probs.reshape(B * S, G, V)
    perplexity = _compute_perplexity(probs_g, mask_time_indices)
    # weighted sum of codevectors per group
    cvp = codevector_probs.reshape(B * S, G * V)
    d = codevectors.shape[-1]
    codevectors_per_group = cvp[:, :, None] * codevectors  # (B*S, G*V, d)
    out = codevectors_per_group.reshape(B * S, G, V, d).sum(axis=-2).reshape(B, S, G * d)
    return out, perplexity

if __name__ == "__main__":
    import jax
    _d = setup_inputs()
    print(jax.jit(kernel)(*tuple(_d.values())))

</pallas_src>

<mosaic_0001>
#map = affine_map<(d0, d1) -> (0, 0)>
#map1 = affine_map<(d0, d1) -> (0)>
module attributes {stable_mosaic.version = 14 : i64} {
  func.func @k(%arg0: i32, %arg1: i32, %arg2: memref<640x128xf32, #tpu.memory_space<hbm>>, %arg3: memref<2048xi32, #tpu.memory_space<hbm>>, %arg4: memref<2048xi32, #tpu.memory_space<hbm>>, %arg5: memref<4096x128xf32, #tpu.memory_space<hbm>>, %arg6: memref<128xi32, #tpu.memory_space<vmem>>, %arg7: memref<128xi32, #tpu.memory_space<vmem>>, %arg8: memref<256xi32, #tpu.memory_space<vmem>>, %arg9: memref<256x128xf32, #tpu.memory_space<vmem>>, %arg10: memref<!tpu.dma_semaphore, #tpu.memory_space<semaphore_mem>>) attributes {dimension_semantics = [#tpu.dimension_semantics<core_parallel>, #tpu.dimension_semantics<subcore_parallel>], iteration_bounds = array<i64: 1, 16>, scalar_prefetch = 0 : i64, scratch_operands = 5 : i64, tpu.core_type = #tpu.core_type<sc_vector_subcore>, window_params = [{transform_indices = #map}, {transform_indices = #map1}, {transform_indices = #map1}, {transform_indices = #map}]} {
    %mul3A = arith.constant 1 : i32
    %mul3A_0 = arith.muli %arg1, %mul3A : i32
    %add3A = arith.addi %mul3A_0, %arg0 : i32
    %mul3A_1 = arith.constant 128 : i32
    %mul3A_2 = arith.muli %add3A, %mul3A_1 : i32
    "tpu.region"() ({
      %run_scoped3A = tpu.sem_alloc : memref<!tpu.dma_semaphore, #tpu.memory_space<semaphore_mem>>
      %dma_start3A_330 = tpu.memref_slice %arg3[%mul3A_2] : memref<2048xi32, #tpu.memory_space<hbm>> -> memref<128xi32, #tpu.memory_space<hbm>>
      %dma_start3A_331 = tpu.memref_slice %arg3[%mul3A_2] : memref<2048xi32, #tpu.memory_space<hbm>> -> memref<128xi32, #tpu.memory_space<hbm>>
      tpu.enqueue_dma source(%dma_start3A_331 : memref<128xi32, #tpu.memory_space<hbm>>) target(%arg6 : memref<128xi32, #tpu.memory_space<vmem>>) target_semaphore(%run_scoped3A : memref<!tpu.dma_semaphore, #tpu.memory_space<semaphore_mem>>)
      %dma_wait3A_332 = tpu.memref_slice %arg3[%mul3A_2] : memref<2048xi32, #tpu.memory_space<hbm>> -> memref<128xi32, #tpu.memory_space<hbm>>
      %dma_wait3A_333 = tpu.memref_slice %arg3[%mul3A_2] : memref<2048xi32, #tpu.memory_space<hbm>> -> memref<128xi32, #tpu.memory_space<hbm>>
      tpu.wait_dma2 semaphore(%run_scoped3A : memref<!tpu.dma_semaphore, #tpu.memory_space<semaphore_mem>>) src(%dma_wait3A_333 : memref<128xi32, #tpu.memory_space<hbm>>) dst(%arg6 : memref<128xi32, #tpu.memory_space<vmem>>)
      tpu.yield
    }) : () -> ()
    "tpu.region"() ({
      %run_scoped3A = tpu.sem_alloc : memref<!tpu.dma_semaphore, #tpu.memory_space<semaphore_mem>>
      %dma_start3A_330 = tpu.memref_slice %arg4[%mul3A_2] : memref<2048xi32, #tpu.memory_space<hbm>> -> memref<128xi32, #tpu.memory_space<hbm>>
      %dma_start3A_331 = tpu.memref_slice %arg4[%mul3A_2] : memref<2048xi32, #tpu.memory_space<hbm>> -> memref<128xi32, #tpu.memory_space<hbm>>
      tpu.enqueue_dma source(%dma_start3A_331 : memref<128xi32, #tpu.memory_space<hbm>>) target(%arg7 : memref<128xi32, #tpu.memory_space<vmem>>) target_semaphore(%run_scoped3A : memref<!tpu.dma_semaphore, #tpu.memory_space<semaphore_mem>>)
      %dma_wait3A_332 = tpu.memref_slice %arg4[%mul3A_2] : memref<2048xi32, #tpu.memory_space<hbm>> -> memref<128xi32, #tpu.memory_space<hbm>>
      %dma_wait3A_333 = tpu.memref_slice %arg4[%mul3A_2] : memref<2048xi32, #tpu.memory_space<hbm>> -> memref<128xi32, #tpu.memory_space<hbm>>
      tpu.wait_dma2 semaphore(%run_scoped3A : memref<!tpu.dma_semaphore, #tpu.memory_space<semaphore_mem>>) src(%dma_wait3A_333 : memref<128xi32, #tpu.memory_space<hbm>>) dst(%arg7 : memref<128xi32, #tpu.memory_space<vmem>>)
      tpu.yield
    }) : () -> ()
    %iota3A = tpu.iota {dimensions = array<i32: 0>} : vector<16xi32>
    %shift_right_arithmetic3A = arith.constant 1 : i32
    %shift_right_arithmetic3A_3 = vector.broadcast %shift_right_arithmetic3A : i32 to vector<16xi32>
    %shift_right_arithmetic3A_4 = arith.shrsi %iota3A, %shift_right_arithmetic3A_3 : vector<16xi32>
    %and3A = arith.constant 1 : i32
    %and3A_5 = vector.broadcast %and3A : i32 to vector<16xi32>
    %and3A_6 = arith.andi %iota3A, %and3A_5 : vector<16xi32>
    %eq3A = arith.constant 1 : i32
    %eq3A_7 = vector.broadcast %eq3A : i32 to vector<16xi32>
    %eq3A_8 = arith.cmpi eq, %and3A_6, %eq3A_7 : vector<16xi32>
    %get3A = arith.constant 0 : index
    %get3A_9 = tpu.vector_load %arg6[%get3A] {strides = array<i32>} : memref<128xi32, #tpu.memory_space<vmem>>, vector<16xi32>,
    %get3A_10 = vector.shape_cast %get3A_9 : vector<16xi32> to vector<16xi32>
    %get3A_11 = arith.constant 0 : index
    %get3A_12 = tpu.vector_load %arg7[%get3A_11] {strides = array<i32>} : memref<128xi32, #tpu.memory_space<vmem>>, vector<16xi32>,
    %get3A_13 = vector.shape_cast %get3A_12 : vector<16xi32> to vector<16xi32>
    %add3A_14 = arith.constant 0 : i32
    %add3A_15 = vector.broadcast %add3A_14 : i32 to vector<16xi32>
    %add3A_16 = arith.addi %shift_right_arithmetic3A_4, %add3A_15 : vector<16xi32>
    %broadcast_in_dim3A = vector.shape_cast %add3A_16 : vector<16xi32> to vector<16x1xi32>
    %gather3A = vector.shape_cast %broadcast_in_dim3A : vector<16x1xi32> to vector<16xi32>
    %gather3A_17 = tpu.dynamic_gather %get3A_10[%gather3A] in [0] : vector<16xi32>, vector<16xi32> -> vector<16xi32>
    %broadcast_in_dim3A_18 = vector.shape_cast %add3A_16 : vector<16xi32> to vector<16x1xi32>
    %gather3A_19 = vector.shape_cast %broadcast_in_dim3A_18 : vector<16x1xi32> to vector<16xi32>
    %gather3A_20 = tpu.dynamic_gather %get3A_13[%gather3A_19] in [0] : vector<16xi32>, vector<16xi32> -> vector<16xi32>
    %select_n3A = arith.select %eq3A_8, %gather3A_20, %gather3A_17 : vector<16xi1>, vector<16xi32>
    %swap3A = arith.constant 0 : index
    %swap3A_21 = tpu.vector_load %arg8[%swap3A] {strides = array<i32>} : memref<256xi32, #tpu.memory_space<vmem>>, vector<16xi32>,
    %swap3A_22 = vector.shape_cast %swap3A_21 : vector<16xi32> to vector<16xi32>
    %swap3A_23 = vector.shape_cast %select_n3A : vector<16xi32> to vector<16xi32>
    tpu.vector_store %arg8[%swap3A], %swap3A_23 {strides = array<i32>} : memref<256xi32, #tpu.memory_space<vmem>>, vector<16xi32>,
    %get3A_24 = arith.constant 0 : index
    %get3A_25 = tpu.vector_load %arg6[%get3A_24] {strides = array<i32>} : memref<128xi32, #tpu.memory_space<vmem>>, vector<16xi32>,
    %get3A_26 = vector.shape_cast %get3A_25 : vector<16xi32> to vector<16xi32>
    %get3A_27 = arith.constant 0 : index
    %get3A_28 = tpu.vector_load %arg7[%get3A_27] {strides = array<i32>} : memref<128xi32, #tpu.memory_space<vmem>>, vector<16xi32>,
    %get3A_29 = vector.shape_cast %get3A_28 : vector<16xi32> to vector<16xi32>
    %add3A_30 = arith.constant 8 : i32
    %add3A_31 = vector.broadcast %add3A_30 : i32 to vector<16xi32>
    %add3A_32 = arith.addi %shift_right_arithmetic3A_4, %add3A_31 : vector<16xi32>
    %broadcast_in_dim3A_33 = vector.shape_cast %add3A_32 : vector<16xi32> to vector<16x1xi32>
    %gather3A_34 = vector.shape_cast %broadcast_in_dim3A_33 : vector<16x1xi32> to vector<16xi32>
    %gather3A_35 = tpu.dynamic_gather %get3A_26[%gather3A_34] in [0] : vector<16xi32>, vector<16xi32> -> vector<16xi32>
    %broadcast_in_dim3A_36 = vector.shape_cast %add3A_32 : vector<16xi32> to vector<16x1xi32>
    %gather3A_37 = vector.shape_cast %broadcast_in_dim3A_36 : vector<16x1xi32> to vector<16xi32>
    %gather3A_38 = tpu.dynamic_gather %get3A_29[%gather3A_37] in [0] : vector<16xi32>, vector<16xi32> -> vector<16xi32>
    %select_n3A_39 = arith.select %eq3A_8, %gather3A_38, %gather3A_35 : vector<16xi1>, vector<16xi32>
    %swap3A_40 = arith.constant 16 : index
    %swap3A_41 = tpu.vector_load %arg8[%swap3A_40] {strides = array<i32>} : memref<256xi32, #tpu.memory_space<vmem>>, vector<16xi32>,
    %swap3A_42 = vector.shape_cast %swap3A_41 : vector<16xi32> to vector<16xi32>
    %swap3A_43 = vector.shape_cast %select_n3A_39 : vector<16xi32> to vector<16xi32>
    tpu.vector_store %arg8[%swap3A_40], %swap3A_43 {strides = array<i32>} : memref<256xi32, #tpu.memory_space<vmem>>, vector<16xi32>,
    %get3A_44 = arith.constant 16 : index
    %get3A_45 = tpu.vector_load %arg6[%get3A_44] {strides = array<i32>} : memref<128xi32, #tpu.memory_space<vmem>>, vector<16xi32>,
    %get3A_46 = vector.shape_cast %get3A_45 : vector<16xi32> to vector<16xi32>
    %get3A_47 = arith.constant 16 : index
    %get3A_48 = tpu.vector_load %arg7[%get3A_47] {strides = array<i32>} : memref<128xi32, #tpu.memory_space<vmem>>, vector<16xi32>,
    %get3A_49 = vector.shape_cast %get3A_48 : vector<16xi32> to vector<16xi32>
    %add3A_50 = arith.constant 0 : i32
    %add3A_51 = vector.broadcast %add3A_50 : i32 to vector<16xi32>
    %add3A_52 = arith.addi %shift_right_arithmetic3A_4, %add3A_51 : vector<16xi32>
    %broadcast_in_dim3A_53 = vector.shape_cast %add3A_52 : vector<16xi32> to vector<16x1xi32>
    %gather3A_54 = vector.shape_cast %broadcast_in_dim3A_53 : vector<16x1xi32> to vector<16xi32>
    %gather3A_55 = tpu.dynamic_gather %get3A_46[%gather3A_54] in [0] : vector<16xi32>, vector<16xi32> -> vector<16xi32>
    %broadcast_in_dim3A_56 = vector.shape_cast %add3A_52 : vector<16xi32> to vector<16x1xi32>
    %gather3A_57 = vector.shape_cast %broadcast_in_dim3A_56 : vector<16x1xi32> to vector<16xi32>
    %gather3A_58 = tpu.dynamic_gather %get3A_49[%gather3A_57] in [0] : vector<16xi32>, vector<16xi32> -> vector<16xi32>
    %select_n3A_59 = arith.select %eq3A_8, %gather3A_58, %gather3A_55 : vector<16xi1>, vector<16xi32>
    %swap3A_60 = arith.constant 32 : index
    %swap3A_61 = tpu.vector_load %arg8[%swap3A_60] {strides = array<i32>} : memref<256xi32, #tpu.memory_space<vmem>>, vector<16xi32>,
    %swap3A_62 = vector.shape_cast %swap3A_61 : vector<16xi32> to vector<16xi32>
    %swap3A_63 = vector.shape_cast %select_n3A_59 : vector<16xi32> to vector<16xi32>
    tpu.vector_store %arg8[%swap3A_60], %swap3A_63 {strides = array<i32>} : memref<256xi32, #tpu.memory_space<vmem>>, vector<16xi32>,
    %get3A_64 = arith.constant 16 : index
    %get3A_65 = tpu.vector_load %arg6[%get3A_64] {strides = array<i32>} : memref<128xi32, #tpu.memory_space<vmem>>, vector<16xi32>,
    %get3A_66 = vector.shape_cast %get3A_65 : vector<16xi32> to vector<16xi32>
    %get3A_67 = arith.constant 16 : index
    %get3A_68 = tpu.vector_load %arg7[%get3A_67] {strides = array<i32>} : memref<128xi32, #tpu.memory_space<vmem>>, vector<16xi32>,
    %get3A_69 = vector.shape_cast %get3A_68 : vector<16xi32> to vector<16xi32>
    %add3A_70 = arith.constant 8 : i32
    %add3A_71 = vector.broadcast %add3A_70 : i32 to vector<16xi32>
    %add3A_72 = arith.addi %shift_right_arithmetic3A_4, %add3A_71 : vector<16xi32>
    %broadcast_in_dim3A_73 = vector.shape_cast %add3A_72 : vector<16xi32> to vector<16x1xi32>
    %gather3A_74 = vector.shape_cast %broadcast_in_dim3A_73 : vector<16x1xi32> to vector<16xi32>
    %gather3A_75 = tpu.dynamic_gather %get3A_66[%gather3A_74] in [0] : vector<16xi32>, vector<16xi32> -> vector<16xi32>
    %broadcast_in_dim3A_76 = vector.shape_cast %add3A_72 : vector<16xi32> to vector<16x1xi32>
    %gather3A_77 = vector.shape_cast %broadcast_in_dim3A_76 : vector<16x1xi32> to vector<16xi32>
    %gather3A_78 = tpu.dynamic_gather %get3A_69[%gather3A_77] in [0] : vector<16xi32>, vector<16xi32> -> vector<16xi32>
    %select_n3A_79 = arith.select %eq3A_8, %gather3A_78, %gather3A_75 : vector<16xi1>, vector<16xi32>
    %swap3A_80 = arith.constant 48 : index
    %swap3A_81 = tpu.vector_load %arg8[%swap3A_80] {strides = array<i32>} : memref<256xi32, #tpu.memory_space<vmem>>, vector<16xi32>,
    %swap3A_82 = vector.shape_cast %swap3A_81 : vector<16xi32> to vector<16xi32>
    %swap3A_83 = vector.shape_cast %select_n3A_79 : vector<16xi32> to vector<16xi32>
    tpu.vector_store %arg8[%swap3A_80], %swap3A_83 {strides = array<i32>} : memref<256xi32, #tpu.memory_space<vmem>>, vector<16xi32>,
    %get3A_84 = arith.constant 32 : index
    %get3A_85 = tpu.vector_load %arg6[%get3A_84] {strides = array<i32>} : memref<128xi32, #tpu.memory_space<vmem>>, vector<16xi32>,
    %get3A_86 = vector.shape_cast %get3A_85 : vector<16xi32> to vector<16xi32>
    %get3A_87 = arith.constant 32 : index
    %get3A_88 = tpu.vector_load %arg7[%get3A_87] {strides = array<i32>} : memref<128xi32, #tpu.memory_space<vmem>>, vector<16xi32>,
    %get3A_89 = vector.shape_cast %get3A_88 : vector<16xi32> to vector<16xi32>
    %add3A_90 = arith.constant 0 : i32
    %add3A_91 = vector.broadcast %add3A_90 : i32 to vector<16xi32>
    %add3A_92 = arith.addi %shift_right_arithmetic3A_4, %add3A_91 : vector<16xi32>
    %broadcast_in_dim3A_93 = vector.shape_cast %add3A_92 : vector<16xi32> to vector<16x1xi32>
    %gather3A_94 = vector.shape_cast %broadcast_in_dim3A_93 : vector<16x1xi32> to vector<16xi32>
    %gather3A_95 = tpu.dynamic_gather %get3A_86[%gather3A_94] in [0] : vector<16xi32>, vector<16xi32> -> vector<16xi32>
    %broadcast_in_dim3A_96 = vector.shape_cast %add3A_92 : vector<16xi32> to vector<16x1xi32>
    %gather3A_97 = vector.shape_cast %broadcast_in_dim3A_96 : vector<16x1xi32> to vector<16xi32>
    %gather3A_98 = tpu.dynamic_gather %get3A_89[%gather3A_97] in [0] : vector<16xi32>, vector<16xi32> -> vector<16xi32>
    %select_n3A_99 = arith.select %eq3A_8, %gather3A_98, %gather3A_95 : vector<16xi1>, vector<16xi32>
    %swap3A_100 = arith.constant 64 : index
    %swap3A_101 = tpu.vector_load %arg8[%swap3A_100] {strides = array<i32>} : memref<256xi32, #tpu.memory_space<vmem>>, vector<16xi32>,
    %swap3A_102 = vector.shape_cast %swap3A_101 : vector<16xi32> to vector<16xi32>
    %swap3A_103 = vector.shape_cast %select_n3A_99 : vector<16xi32> to vector<16xi32>
    tpu.vector_store %arg8[%swap3A_100], %swap3A_103 {strides = array<i32>} : memref<256xi32, #tpu.memory_space<vmem>>, vector<16xi32>,
    %get3A_104 = arith.constant 32 : index
    %get3A_105 = tpu.vector_load %arg6[%get3A_104] {strides = array<i32>} : memref<128xi32, #tpu.memory_space<vmem>>, vector<16xi32>,
    %get3A_106 = vector.shape_cast %get3A_105 : vector<16xi32> to vector<16xi32>
    %get3A_107 = arith.constant 32 : index
    %get3A_108 = tpu.vector_load %arg7[%get3A_107] {strides = array<i32>} : memref<128xi32, #tpu.memory_space<vmem>>, vector<16xi32>,
    %get3A_109 = vector.shape_cast %get3A_108 : vector<16xi32> to vector<16xi32>
    %add3A_110 = arith.constant 8 : i32
    %add3A_111 = vector.broadcast %add3A_110 : i32 to vector<16xi32>
    %add3A_112 = arith.addi %shift_right_arithmetic3A_4, %add3A_111 : vector<16xi32>
    %broadcast_in_dim3A_113 = vector.shape_cast %add3A_112 : vector<16xi32> to vector<16x1xi32>
    %gather3A_114 = vector.shape_cast %broadcast_in_dim3A_113 : vector<16x1xi32> to vector<16xi32>
    %gather3A_115 = tpu.dynamic_gather %get3A_106[%gather3A_114] in [0] : vector<16xi32>, vector<16xi32> -> vector<16xi32>
    %broadcast_in_dim3A_116 = vector.shape_cast %add3A_112 : vector<16xi32> to vector<16x1xi32>
    %gather3A_117 = vector.shape_cast %broadcast_in_dim3A_116 : vector<16x1xi32> to vector<16xi32>
    %gather3A_118 = tpu.dynamic_gather %get3A_109[%gather3A_117] in [0] : vector<16xi32>, vector<16xi32> -> vector<16xi32>
    %select_n3A_119 = arith.select %eq3A_8, %gather3A_118, %gather3A_115 : vector<16xi1>, vector<16xi32>
    %swap3A_120 = arith.constant 80 : index
    %swap3A_121 = tpu.vector_load %arg8[%swap3A_120] {strides = array<i32>} : memref<256xi32, #tpu.memory_space<vmem>>, vector<16xi32>,
    %swap3A_122 = vector.shape_cast %swap3A_121 : vector<16xi32> to vector<16xi32>
    %swap3A_123 = vector.shape_cast %select_n3A_119 : vector<16xi32> to vector<16xi32>
    tpu.vector_store %arg8[%swap3A_120], %swap3A_123 {strides = array<i32>} : memref<256xi32, #tpu.memory_space<vmem>>, vector<16xi32>,
    %get3A_124 = arith.constant 48 : index
    %get3A_125 = tpu.vector_load %arg6[%get3A_124] {strides = array<i32>} : memref<128xi32, #tpu.memory_space<vmem>>, vector<16xi32>,
    %get3A_126 = vector.shape_cast %get3A_125 : vector<16xi32> to vector<16xi32>
    %get3A_127 = arith.constant 48 : index
    %get3A_128 = tpu.vector_load %arg7[%get3A_127] {strides = array<i32>} : memref<128xi32, #tpu.memory_space<vmem>>, vector<16xi32>,
    %get3A_129 = vector.shape_cast %get3A_128 : vector<16xi32> to vector<16xi32>
    %add3A_130 = arith.constant 0 : i32
    %add3A_131 = vector.broadcast %add3A_130 : i32 to vector<16xi32>
    %add3A_132 = arith.addi %shift_right_arithmetic3A_4, %add3A_131 : vector<16xi32>
    %broadcast_in_dim3A_133 = vector.shape_cast %add3A_132 : vector<16xi32> to vector<16x1xi32>
    %gather3A_134 = vector.shape_cast %broadcast_in_dim3A_133 : vector<16x1xi32> to vector<16xi32>
    %gather3A_135 = tpu.dynamic_gather %get3A_126[%gather3A_134] in [0] : vector<16xi32>, vector<16xi32> -> vector<16xi32>
    %broadcast_in_dim3A_136 = vector.shape_cast %add3A_132 : vector<16xi32> to vector<16x1xi32>
    %gather3A_137 = vector.shape_cast %broadcast_in_dim3A_136 : vector<16x1xi32> to vector<16xi32>
    %gather3A_138 = tpu.dynamic_gather %get3A_129[%gather3A_137] in [0] : vector<16xi32>, vector<16xi32> -> vector<16xi32>
    %select_n3A_139 = arith.select %eq3A_8, %gather3A_138, %gather3A_135 : vector<16xi1>, vector<16xi32>
    %swap3A_140 = arith.constant 96 : index
    %swap3A_141 = tpu.vector_load %arg8[%swap3A_140] {strides = array<i32>} : memref<256xi32, #tpu.memory_space<vmem>>, vector<16xi32>,
    %swap3A_142 = vector.shape_cast %swap3A_141 : vector<16xi32> to vector<16xi32>
    %swap3A_143 = vector.shape_cast %select_n3A_139 : vector<16xi32> to vector<16xi32>
    tpu.vector_store %arg8[%swap3A_140], %swap3A_143 {strides = array<i32>} : memref<256xi32, #tpu.memory_space<vmem>>, vector<16xi32>,
    %get3A_144 = arith.constant 48 : index
    %get3A_145 = tpu.vector_load %arg6[%get3A_144] {strides = array<i32>} : memref<128xi32, #tpu.memory_space<vmem>>, vector<16xi32>,
    %get3A_146 = vector.shape_cast %get3A_145 : vector<16xi32> to vector<16xi32>
    %get3A_147 = arith.constant 48 : index
    %get3A_148 = tpu.vector_load %arg7[%get3A_147] {strides = array<i32>} : memref<128xi32, #tpu.memory_space<vmem>>, vector<16xi32>,
    %get3A_149 = vector.shape_cast %get3A_148 : vector<16xi32> to vector<16xi32>
    %add3A_150 = arith.constant 8 : i32
    %add3A_151 = vector.broadcast %add3A_150 : i32 to vector<16xi32>
    %add3A_152 = arith.addi %shift_right_arithmetic3A_4, %add3A_151 : vector<16xi32>
    %broadcast_in_dim3A_153 = vector.shape_cast %add3A_152 : vector<16xi32> to vector<16x1xi32>
    %gather3A_154 = vector.shape_cast %broadcast_in_dim3A_153 : vector<16x1xi32> to vector<16xi32>
    %gather3A_155 = tpu.dynamic_gather %get3A_146[%gather3A_154] in [0] : vector<16xi32>, vector<16xi32> -> vector<16xi32>
    %broadcast_in_dim3A_156 = vector.shape_cast %add3A_152 : vector<16xi32> to vector<16x1xi32>
    %gather3A_157 = vector.shape_cast %broadcast_in_dim3A_156 : vector<16x1xi32> to vector<16xi32>
    %gather3A_158 = tpu.dynamic_gather %get3A_149[%gather3A_157] in [0] : vector<16xi32>, vector<16xi32> -> vector<16xi32>
    %select_n3A_159 = arith.select %eq3A_8, %gather3A_158, %gather3A_155 : vector<16xi1>, vector<16xi32>
    %swap3A_160 = arith.constant 112 : index
    %swap3A_161 = tpu.vector_load %arg8[%swap3A_160] {strides = array<i32>} : memref<256xi32, #tpu.memory_space<vmem>>, vector<16xi32>,
    %swap3A_162 = vector.shape_cast %swap3A_161 : vector<16xi32> to vector<16xi32>
    %swap3A_163 = vector.shape_cast %select_n3A_159 : vector<16xi32> to vector<16xi32>
    tpu.vector_store %arg8[%swap3A_160], %swap3A_163 {strides = array<i32>} : memref<256xi32, #tpu.memory_space<vmem>>, vector<16xi32>,
    %get3A_164 = arith.constant 64 : index
    %get3A_165 = tpu.vector_load %arg6[%get3A_164] {strides = array<i32>} : memref<128xi32, #tpu.memory_space<vmem>>, vector<16xi32>,
    %get3A_166 = vector.shape_cast %get3A_165 : vector<16xi32> to vector<16xi32>
    %get3A_167 = arith.constant 64 : index
    %get3A_168 = tpu.vector_load %arg7[%get3A_167] {strides = array<i32>} : memref<128xi32, #tpu.memory_space<vmem>>, vector<16xi32>,
    %get3A_169 = vector.shape_cast %get3A_168 : vector<16xi32> to vector<16xi32>
    %add3A_170 = arith.constant 0 : i32
    %add3A_171 = vector.broadcast %add3A_170 : i32 to vector<16xi32>
    %add3A_172 = arith.addi %shift_right_arithmetic3A_4, %add3A_171 : vector<16xi32>
    %broadcast_in_dim3A_173 = vector.shape_cast %add3A_172 : vector<16xi32> to vector<16x1xi32>
    %gather3A_174 = vector.shape_cast %broadcast_in_dim3A_173 : vector<16x1xi32> to vector<16xi32>
    %gather3A_175 = tpu.dynamic_gather %get3A_166[%gather3A_174] in [0] : vector<16xi32>, vector<16xi32> -> vector<16xi32>
    %broadcast_in_dim3A_176 = vector.shape_cast %add3A_172 : vector<16xi32> to vector<16x1xi32>
    %gather3A_177 = vector.shape_cast %broadcast_in_dim3A_176 : vector<16x1xi32> to vector<16xi32>
    %gather3A_178 = tpu.dynamic_gather %get3A_169[%gather3A_177] in [0] : vector<16xi32>, vector<16xi32> -> vector<16xi32>
    %select_n3A_179 = arith.select %eq3A_8, %gather3A_178, %gather3A_175 : vector<16xi1>, vector<16xi32>
    %swap3A_180 = arith.constant 128 : index
    %swap3A_181 = tpu.vector_load %arg8[%swap3A_180] {strides = array<i32>} : memref<256xi32, #tpu.memory_space<vmem>>, vector<16xi32>,
    %swap3A_182 = vector.shape_cast %swap3A_181 : vector<16xi32> to vector<16xi32>
    %swap3A_183 = vector.shape_cast %select_n3A_179 : vector<16xi32> to vector<16xi32>
    tpu.vector_store %arg8[%swap3A_180], %swap3A_183 {strides = array<i32>} : memref<256xi32, #tpu.memory_space<vmem>>, vector<16xi32>,
    %get3A_184 = arith.constant 64 : index
    %get3A_185 = tpu.vector_load %arg6[%get3A_184] {strides = array<i32>} : memref<128xi32, #tpu.memory_space<vmem>>, vector<16xi32>,
    %get3A_186 = vector.shape_cast %get3A_185 : vector<16xi32> to vector<16xi32>
    %get3A_187 = arith.constant 64 : index
    %get3A_188 = tpu.vector_load %arg7[%get3A_187] {strides = array<i32>} : memref<128xi32, #tpu.memory_space<vmem>>, vector<16xi32>,
    %get3A_189 = vector.shape_cast %get3A_188 : vector<16xi32> to vector<16xi32>
    %add3A_190 = arith.constant 8 : i32
    %add3A_191 = vector.broadcast %add3A_190 : i32 to vector<16xi32>
    %add3A_192 = arith.addi %shift_right_arithmetic3A_4, %add3A_191 : vector<16xi32>
    %broadcast_in_dim3A_193 = vector.shape_cast %add3A_192 : vector<16xi32> to vector<16x1xi32>
    %gather3A_194 = vector.shape_cast %broadcast_in_dim3A_193 : vector<16x1xi32> to vector<16xi32>
    %gather3A_195 = tpu.dynamic_gather %get3A_186[%gather3A_194] in [0] : vector<16xi32>, vector<16xi32> -> vector<16xi32>
    %broadcast_in_dim3A_196 = vector.shape_cast %add3A_192 : vector<16xi32> to vector<16x1xi32>
    %gather3A_197 = vector.shape_cast %broadcast_in_dim3A_196 : vector<16x1xi32> to vector<16xi32>
    %gather3A_198 = tpu.dynamic_gather %get3A_189[%gather3A_197] in [0] : vector<16xi32>, vector<16xi32> -> vector<16xi32>
    %select_n3A_199 = arith.select %eq3A_8, %gather3A_198, %gather3A_195 : vector<16xi1>, vector<16xi32>
    %swap3A_200 = arith.constant 144 : index
    %swap3A_201 = tpu.vector_load %arg8[%swap3A_200] {strides = array<i32>} : memref<256xi32, #tpu.memory_space<vmem>>, vector<16xi32>,
    %swap3A_202 = vector.shape_cast %swap3A_201 : vector<16xi32> to vector<16xi32>
    %swap3A_203 = vector.shape_cast %select_n3A_199 : vector<16xi32> to vector<16xi32>
    tpu.vector_store %arg8[%swap3A_200], %swap3A_203 {strides = array<i32>} : memref<256xi32, #tpu.memory_space<vmem>>, vector<16xi32>,
    %get3A_204 = arith.constant 80 : index
    %get3A_205 = tpu.vector_load %arg6[%get3A_204] {strides = array<i32>} : memref<128xi32, #tpu.memory_space<vmem>>, vector<16xi32>,
    %get3A_206 = vector.shape_cast %get3A_205 : vector<16xi32> to vector<16xi32>
    %get3A_207 = arith.constant 80 : index
    %get3A_208 = tpu.vector_load %arg7[%get3A_207] {strides = array<i32>} : memref<128xi32, #tpu.memory_space<vmem>>, vector<16xi32>,
    %get3A_209 = vector.shape_cast %get3A_208 : vector<16xi32> to vector<16xi32>
    %add3A_210 = arith.constant 0 : i32
    %add3A_211 = vector.broadcast %add3A_210 : i32 to vector<16xi32>
    %add3A_212 = arith.addi %shift_right_arithmetic3A_4, %add3A_211 : vector<16xi32>
    %broadcast_in_dim3A_213 = vector.shape_cast %add3A_212 : vector<16xi32> to vector<16x1xi32>
    %gather3A_214 = vector.shape_cast %broadcast_in_dim3A_213 : vector<16x1xi32> to vector<16xi32>
    %gather3A_215 = tpu.dynamic_gather %get3A_206[%gather3A_214] in [0] : vector<16xi32>, vector<16xi32> -> vector<16xi32>
    %broadcast_in_dim3A_216 = vector.shape_cast %add3A_212 : vector<16xi32> to vector<16x1xi32>
    %gather3A_217 = vector.shape_cast %broadcast_in_dim3A_216 : vector<16x1xi32> to vector<16xi32>
    %gather3A_218 = tpu.dynamic_gather %get3A_209[%gather3A_217] in [0] : vector<16xi32>, vector<16xi32> -> vector<16xi32>
    %select_n3A_219 = arith.select %eq3A_8, %gather3A_218, %gather3A_215 : vector<16xi1>, vector<16xi32>
    %swap3A_220 = arith.constant 160 : index
    %swap3A_221 = tpu.vector_load %arg8[%swap3A_220] {strides = array<i32>} : memref<256xi32, #tpu.memory_space<vmem>>, vector<16xi32>,
    %swap3A_222 = vector.shape_cast %swap3A_221 : vector<16xi32> to vector<16xi32>
    %swap3A_223 = vector.shape_cast %select_n3A_219 : vector<16xi32> to vector<16xi32>
    tpu.vector_store %arg8[%swap3A_220], %swap3A_223 {strides = array<i32>} : memref<256xi32, #tpu.memory_space<vmem>>, vector<16xi32>,
    %get3A_224 = arith.constant 80 : index
    %get3A_225 = tpu.vector_load %arg6[%get3A_224] {strides = array<i32>} : memref<128xi32, #tpu.memory_space<vmem>>, vector<16xi32>,
    %get3A_226 = vector.shape_cast %get3A_225 : vector<16xi32> to vector<16xi32>
    %get3A_227 = arith.constant 80 : index
    %get3A_228 = tpu.vector_load %arg7[%get3A_227] {strides = array<i32>} : memref<128xi32, #tpu.memory_space<vmem>>, vector<16xi32>,
    %get3A_229 = vector.shape_cast %get3A_228 : vector<16xi32> to vector<16xi32>
    %add3A_230 = arith.constant 8 : i32
    %add3A_231 = vector.broadcast %add3A_230 : i32 to vector<16xi32>
    %add3A_232 = arith.addi %shift_right_arithmetic3A_4, %add3A_231 : vector<16xi32>
    %broadcast_in_dim3A_233 = vector.shape_cast %add3A_232 : vector<16xi32> to vector<16x1xi32>
    %gather3A_234 = vector.shape_cast %broadcast_in_dim3A_233 : vector<16x1xi32> to vector<16xi32>
    %gather3A_235 = tpu.dynamic_gather %get3A_226[%gather3A_234] in [0] : vector<16xi32>, vector<16xi32> -> vector<16xi32>
    %broadcast_in_dim3A_236 = vector.shape_cast %add3A_232 : vector<16xi32> to vector<16x1xi32>
    %gather3A_237 = vector.shape_cast %broadcast_in_dim3A_236 : vector<16x1xi32> to vector<16xi32>
    %gather3A_238 = tpu.dynamic_gather %get3A_229[%gather3A_237] in [0] : vector<16xi32>, vector<16xi32> -> vector<16xi32>
    %select_n3A_239 = arith.select %eq3A_8, %gather3A_238, %gather3A_235 : vector<16xi1>, vector<16xi32>
    %swap3A_240 = arith.constant 176 : index
    %swap3A_241 = tpu.vector_load %arg8[%swap3A_240] {strides = array<i32>} : memref<256xi32, #tpu.memory_space<vmem>>, vector<16xi32>,
    %swap3A_242 = vector.shape_cast %swap3A_241 : vector<16xi32> to vector<16xi32>
    %swap3A_243 = vector.shape_cast %select_n3A_239 : vector<16xi32> to vector<16xi32>
    tpu.vector_store %arg8[%swap3A_240], %swap3A_243 {strides = array<i32>} : memref<256xi32, #tpu.memory_space<vmem>>, vector<16xi32>,
    %get3A_244 = arith.constant 96 : index
    %get3A_245 = tpu.vector_load %arg6[%get3A_244] {strides = array<i32>} : memref<128xi32, #tpu.memory_space<vmem>>, vector<16xi32>,
    %get3A_246 = vector.shape_cast %get3A_245 : vector<16xi32> to vector<16xi32>
    %get3A_247 = arith.constant 96 : index
    %get3A_248 = tpu.vector_load %arg7[%get3A_247] {strides = array<i32>} : memref<128xi32, #tpu.memory_space<vmem>>, vector<16xi32>,
    %get3A_249 = vector.shape_cast %get3A_248 : vector<16xi32> to vector<16xi32>
    %add3A_250 = arith.constant 0 : i32
    %add3A_251 = vector.broadcast %add3A_250 : i32 to vector<16xi32>
    %add3A_252 = arith.addi %shift_right_arithmetic3A_4, %add3A_251 : vector<16xi32>
    %broadcast_in_dim3A_253 = vector.shape_cast %add3A_252 : vector<16xi32> to vector<16x1xi32>
    %gather3A_254 = vector.shape_cast %broadcast_in_dim3A_253 : vector<16x1xi32> to vector<16xi32>
    %gather3A_255 = tpu.dynamic_gather %get3A_246[%gather3A_254] in [0] : vector<16xi32>, vector<16xi32> -> vector<16xi32>
    %broadcast_in_dim3A_256 = vector.shape_cast %add3A_252 : vector<16xi32> to vector<16x1xi32>
    %gather3A_257 = vector.shape_cast %broadcast_in_dim3A_256 : vector<16x1xi32> to vector<16xi32>
    %gather3A_258 = tpu.dynamic_gather %get3A_249[%gather3A_257] in [0] : vector<16xi32>, vector<16xi32> -> vector<16xi32>
    %select_n3A_259 = arith.select %eq3A_8, %gather3A_258, %gather3A_255 : vector<16xi1>, vector<16xi32>
    %swap3A_260 = arith.constant 192 : index
    %swap3A_261 = tpu.vector_load %arg8[%swap3A_260] {strides = array<i32>} : memref<256xi32, #tpu.memory_space<vmem>>, vector<16xi32>,
    %swap3A_262 = vector.shape_cast %swap3A_261 : vector<16xi32> to vector<16xi32>
    %swap3A_263 = vector.shape_cast %select_n3A_259 : vector<16xi32> to vector<16xi32>
    tpu.vector_store %arg8[%swap3A_260], %swap3A_263 {strides = array<i32>} : memref<256xi32, #tpu.memory_space<vmem>>, vector<16xi32>,
    %get3A_264 = arith.constant 96 : index
    %get3A_265 = tpu.vector_load %arg6[%get3A_264] {strides = array<i32>} : memref<128xi32, #tpu.memory_space<vmem>>, vector<16xi32>,
    %get3A_266 = vector.shape_cast %get3A_265 : vector<16xi32> to vector<16xi32>
    %get3A_267 = arith.constant 96 : index
    %get3A_268 = tpu.vector_load %arg7[%get3A_267] {strides = array<i32>} : memref<128xi32, #tpu.memory_space<vmem>>, vector<16xi32>,
    %get3A_269 = vector.shape_cast %get3A_268 : vector<16xi32> to vector<16xi32>
    %add3A_270 = arith.constant 8 : i32
    %add3A_271 = vector.broadcast %add3A_270 : i32 to vector<16xi32>
    %add3A_272 = arith.addi %shift_right_arithmetic3A_4, %add3A_271 : vector<16xi32>
    %broadcast_in_dim3A_273 = vector.shape_cast %add3A_272 : vector<16xi32> to vector<16x1xi32>
    %gather3A_274 = vector.shape_cast %broadcast_in_dim3A_273 : vector<16x1xi32> to vector<16xi32>
    %gather3A_275 = tpu.dynamic_gather %get3A_266[%gather3A_274] in [0] : vector<16xi32>, vector<16xi32> -> vector<16xi32>
    %broadcast_in_dim3A_276 = vector.shape_cast %add3A_272 : vector<16xi32> to vector<16x1xi32>
    %gather3A_277 = vector.shape_cast %broadcast_in_dim3A_276 : vector<16x1xi32> to vector<16xi32>
    %gather3A_278 = tpu.dynamic_gather %get3A_269[%gather3A_277] in [0] : vector<16xi32>, vector<16xi32> -> vector<16xi32>
    %select_n3A_279 = arith.select %eq3A_8, %gather3A_278, %gather3A_275 : vector<16xi1>, vector<16xi32>
    %swap3A_280 = arith.constant 208 : index
    %swap3A_281 = tpu.vector_load %arg8[%swap3A_280] {strides = array<i32>} : memref<256xi32, #tpu.memory_space<vmem>>, vector<16xi32>,
    %swap3A_282 = vector.shape_cast %swap3A_281 : vector<16xi32> to vector<16xi32>
    %swap3A_283 = vector.shape_cast %select_n3A_279 : vector<16xi32> to vector<16xi32>
    tpu.vector_store %arg8[%swap3A_280], %swap3A_283 {strides = array<i32>} : memref<256xi32, #tpu.memory_space<vmem>>, vector<16xi32>,
    %get3A_284 = arith.constant 112 : index
    %get3A_285 = tpu.vector_load %arg6[%get3A_284] {strides = array<i32>} : memref<128xi32, #tpu.memory_space<vmem>>, vector<16xi32>,
    %get3A_286 = vector.shape_cast %get3A_285 : vector<16xi32> to vector<16xi32>
    %get3A_287 = arith.constant 112 : index
    %get3A_288 = tpu.vector_load %arg7[%get3A_287] {strides = array<i32>} : memref<128xi32, #tpu.memory_space<vmem>>, vector<16xi32>,
    %get3A_289 = vector.shape_cast %get3A_288 : vector<16xi32> to vector<16xi32>
    %add3A_290 = arith.constant 0 : i32
    %add3A_291 = vector.broadcast %add3A_290 : i32 to vector<16xi32>
    %add3A_292 = arith.addi %shift_right_arithmetic3A_4, %add3A_291 : vector<16xi32>
    %broadcast_in_dim3A_293 = vector.shape_cast %add3A_292 : vector<16xi32> to vector<16x1xi32>
    %gather3A_294 = vector.shape_cast %broadcast_in_dim3A_293 : vector<16x1xi32> to vector<16xi32>
    %gather3A_295 = tpu.dynamic_gather %get3A_286[%gather3A_294] in [0] : vector<16xi32>, vector<16xi32> -> vector<16xi32>
    %broadcast_in_dim3A_296 = vector.shape_cast %add3A_292 : vector<16xi32> to vector<16x1xi32>
    %gather3A_297 = vector.shape_cast %broadcast_in_dim3A_296 : vector<16x1xi32> to vector<16xi32>
    %gather3A_298 = tpu.dynamic_gather %get3A_289[%gather3A_297] in [0] : vector<16xi32>, vector<16xi32> -> vector<16xi32>
    %select_n3A_299 = arith.select %eq3A_8, %gather3A_298, %gather3A_295 : vector<16xi1>, vector<16xi32>
    %swap3A_300 = arith.constant 224 : index
    %swap3A_301 = tpu.vector_load %arg8[%swap3A_300] {strides = array<i32>} : memref<256xi32, #tpu.memory_space<vmem>>, vector<16xi32>,
    %swap3A_302 = vector.shape_cast %swap3A_301 : vector<16xi32> to vector<16xi32>
    %swap3A_303 = vector.shape_cast %select_n3A_299 : vector<16xi32> to vector<16xi32>
    tpu.vector_store %arg8[%swap3A_300], %swap3A_303 {strides = array<i32>} : memref<256xi32, #tpu.memory_space<vmem>>, vector<16xi32>,
    %get3A_304 = arith.constant 112 : index
    %get3A_305 = tpu.vector_load %arg6[%get3A_304] {strides = array<i32>} : memref<128xi32, #tpu.memory_space<vmem>>, vector<16xi32>,
    %get3A_306 = vector.shape_cast %get3A_305 : vector<16xi32> to vector<16xi32>
    %get3A_307 = arith.constant 112 : index
    %get3A_308 = tpu.vector_load %arg7[%get3A_307] {strides = array<i32>} : memref<128xi32, #tpu.memory_space<vmem>>, vector<16xi32>,
    %get3A_309 = vector.shape_cast %get3A_308 : vector<16xi32> to vector<16xi32>
    %add3A_310 = arith.constant 8 : i32
    %add3A_311 = vector.broadcast %add3A_310 : i32 to vector<16xi32>
    %add3A_312 = arith.addi %shift_right_arithmetic3A_4, %add3A_311 : vector<16xi32>
    %broadcast_in_dim3A_313 = vector.shape_cast %add3A_312 : vector<16xi32> to vector<16x1xi32>
    %gather3A_314 = vector.shape_cast %broadcast_in_dim3A_313 : vector<16x1xi32> to vector<16xi32>
    %gather3A_315 = tpu.dynamic_gather %get3A_306[%gather3A_314] in [0] : vector<16xi32>, vector<16xi32> -> vector<16xi32>
    %broadcast_in_dim3A_316 = vector.shape_cast %add3A_312 : vector<16xi32> to vector<16x1xi32>
    %gather3A_317 = vector.shape_cast %broadcast_in_dim3A_316 : vector<16x1xi32> to vector<16xi32>
    %gather3A_318 = tpu.dynamic_gather %get3A_309[%gather3A_317] in [0] : vector<16xi32>, vector<16xi32> -> vector<16xi32>
    %select_n3A_319 = arith.select %eq3A_8, %gather3A_318, %gather3A_315 : vector<16xi1>, vector<16xi32>
    %swap3A_320 = arith.constant 240 : index
    %swap3A_321 = tpu.vector_load %arg8[%swap3A_320] {strides = array<i32>} : memref<256xi32, #tpu.memory_space<vmem>>, vector<16xi32>,
    %swap3A_322 = vector.shape_cast %swap3A_321 : vector<16xi32> to vector<16xi32>
    %swap3A_323 = vector.shape_cast %select_n3A_319 : vector<16xi32> to vector<16xi32>
    tpu.vector_store %arg8[%swap3A_320], %swap3A_323 {strides = array<i32>} : memref<256xi32, #tpu.memory_space<vmem>>, vector<16xi32>,
    %dma_start3A = arith.constant 0 : i32
    %dma_start3A_324 = arith.constant 0 : i32
    %dma_start3A_325 = tpu.memref_slice %arg2[%dma_start3A, %dma_start3A_324] : memref<640x128xf32, #tpu.memory_space<hbm>> -> memref<640x128xf32, #tpu.memory_space<hbm>>
    tpu.enqueue_indirect_dma source(%dma_start3A_325 : memref<640x128xf32, #tpu.memory_space<hbm>>) target(%arg9 : memref<256x128xf32, #tpu.memory_space<vmem>>) offsets(%arg8 : memref<256xi32, #tpu.memory_space<vmem>>) semaphore(%arg10 : memref<!tpu.dma_semaphore, #tpu.memory_space<semaphore_mem>>)
    %dma_wait3A = arith.constant 0 : i32
    %dma_wait3A_326 = arith.constant 0 : i32
    %dma_wait3A_327 = tpu.memref_slice %arg2[%dma_wait3A, %dma_wait3A_326] : memref<640x128xf32, #tpu.memory_space<hbm>> -> memref<640x128xf32, #tpu.memory_space<hbm>>
    tpu.wait_indirect_dma semaphore(%arg10 : memref<!tpu.dma_semaphore, #tpu.memory_space<semaphore_mem>>) src(%dma_wait3A_327 : memref<640x128xf32, #tpu.memory_space<hbm>>) dst(%arg9 : memref<256x128xf32, #tpu.memory_space<vmem>>)
    %mul3A_328 = arith.constant 256 : i32
    %mul3A_329 = arith.muli %add3A, %mul3A_328 : i32
    "tpu.region"() ({
      %run_scoped3A = tpu.sem_alloc : memref<!tpu.dma_semaphore, #tpu.memory_space<semaphore_mem>>
      %dma_start3A_330 = arith.constant 0 : i32
      %dma_start3A_331 = tpu.memref_slice %arg5[%mul3A_329, %dma_start3A_330] : memref<4096x128xf32, #tpu.memory_space<hbm>> -> memref<256x128xf32, #tpu.memory_space<hbm>>
      %dma_start3A_332 = arith.constant 0 : i32
      %dma_start3A_333 = tpu.memref_slice %arg5[%mul3A_329, %dma_start3A_332] : memref<4096x128xf32, #tpu.memory_space<hbm>> -> memref<256x128xf32, #tpu.memory_space<hbm>>
      tpu.enqueue_dma source(%arg9 : memref<256x128xf32, #tpu.memory_space<vmem>>) target(%dma_start3A_333 : memref<256x128xf32, #tpu.memory_space<hbm>>) target_semaphore(%run_scoped3A : memref<!tpu.dma_semaphore, #tpu.memory_space<semaphore_mem>>)
      %dma_wait3A_334 = arith.constant 0 : i32
      %dma_wait3A_335 = tpu.memref_slice %arg5[%mul3A_329, %dma_wait3A_334] : memref<4096x128xf32, #tpu.memory_space<hbm>> -> memref<256x128xf32, #tpu.memory_space<hbm>>
      %dma_wait3A_336 = arith.constant 0 : i32
      %dma_wait3A_337 = tpu.memref_slice %arg5[%mul3A_329, %dma_wait3A_336] : memref<4096x128xf32, #tpu.memory_space<hbm>> -> memref<256x128xf32, #tpu.memory_space<hbm>>
      tpu.wait_dma2 semaphore(%run_scoped3A : memref<!tpu.dma_semaphore, #tpu.memory_space<semaphore_mem>>) src(%arg9 : memref<256x128xf32, #tpu.memory_space<vmem>>) dst(%dma_wait3A_337 : memref<256x128xf32, #tpu.memory_space<hbm>>)
      tpu.yield
    }) : () -> ()
    return
  }
}

module attributes {stable_mosaic.version = 14 : i64} {
  func.func @_proj_body(%arg0: i32, %arg1: memref<1024x512xf32, #tpu.memory_space<vmem>>, %arg2: memref<640x512xf32, #tpu.memory_space<vmem>>, %arg3: memref<2x1024xi8, #tpu.memory_space<vmem>>, %arg4: memref<8x128xi32, #tpu.memory_space<vmem>>, %arg5: memref<8x128xi32, #tpu.memory_space<vmem>>, %arg6: memref<320x2xf32, #tpu.memory_space<vmem>>, %arg7: memref<1x1xf32, #tpu.memory_space<vmem>>) attributes {dimension_semantics = [#tpu.dimension_semantics<arbitrary>], iteration_bounds = array<i64: 2>, scalar_prefetch = 0 : i64, scratch_operands = 0 : i64, tpu.core_type = #tpu.core_type<tc>, window_params = [{transform_indices = @transform_0, window_bounds = array<i64: 1024, 512>}, {pipeline_mode = #tpu.pipeline_mode<synchronous>, transform_indices = @transform_1, window_bounds = array<i64: 640, 512>}, {pipeline_mode = #tpu.pipeline_mode<synchronous>, transform_indices = @transform_2, window_bounds = array<i64: 2, 1024>}, {transform_indices = @transform_3, window_bounds = array<i64: 8, 128>}, {transform_indices = @transform_4, window_bounds = array<i64: 8, 128>}, {pipeline_mode = #tpu.pipeline_mode<synchronous>, transform_indices = @transform_5, window_bounds = array<i64: 320, 2>}, {pipeline_mode = #tpu.pipeline_mode<synchronous>, transform_indices = @transform_6, window_bounds = array<i64: 1, 1>}]} {
    %get3A = arith.constant 0 : index
    %get3A_0 = arith.constant 0 : index
    %get3A_1 = vector.load %arg1[%get3A, %get3A_0] : memref<1024x512xf32, #tpu.memory_space<vmem>>, vector<1024x512xf32>
    %get3A_2 = arith.constant 0 : index
    %get3A_3 = arith.constant 0 : index
    %get3A_4 = vector.load %arg3[%get3A_2, %get3A_3] : memref<2x1024xi8, #tpu.memory_space<vmem>>, vector<2x1024xi8>
    %ne3A = arith.constant 0 : i8
    %ne3A_5 = vector.broadcast %ne3A : i8 to vector<2x1024xi8>
    %ne3A_6 = arith.cmpi ne, %get3A_4, %ne3A_5 : vector<2x1024xi8>
    %convert_element_type3A = arith.extui %ne3A_6 : vector<2x1024xi1> to vector<2x1024xi32>
    %convert_element_type3A_7 = arith.sitofp %convert_element_type3A : vector<2x1024xi32> to vector<2x1024xf32>
    %eq3A = arith.constant 0 : i32
    %eq3A_8 = arith.cmpi eq, %arg0, %eq3A : i32
    %slice3A = vector.extract_strided_slice %convert_element_type3A_7 {offsets = [0, 0], sizes = [1, 1024], strides = [1, 1]} : vector<2x1024xf32> to vector<1x1024xf32>
    %slice3A_9 = vector.extract_strided_slice %convert_element_type3A_7 {offsets = [1, 0], sizes = [1, 1024], strides = [1, 1]} : vector<2x1024xf32> to vector<1x1024xf32>
    %select_n3A = arith.select %eq3A_8, %slice3A, %slice3A_9 : vector<1x1024xf32>
    %get3A_10 = arith.constant 0 : index
    %get3A_11 = arith.constant 0 : index
    %get3A_12 = vector.load %arg2[%get3A_10, %get3A_11] : memref<640x512xf32, #tpu.memory_space<vmem>>, vector<320x512xf32>
    %dot_general3A = arith.constant dense<0.000000e+00> : vector<320x1024xf32>
    %dot_general3A_13 = tpu.matmul %get3A_12, %get3A_1, %dot_general3A {dimension_numbers = #tpu.dot_dimension_numbers<[1], [1], [0], [0], [0, 0, 1, 0], [], []>, transpose_lhs_hint = false} : vector<320x512xf32>, vector<1024x512xf32>, vector<320x1024xf32> -> vector<320x1024xf32>
    %get3A_14 = arith.constant 320 : index
    %get3A_15 = arith.constant 0 : index
    %get3A_16 = vector.load %arg2[%get3A_14, %get3A_15] : memref<640x512xf32, #tpu.memory_space<vmem>>, vector<320x512xf32>
    %dot_general3A_17 = arith.constant dense<0.000000e+00> : vector<320x1024xf32>
    %dot_general3A_18 = tpu.matmul %get3A_16, %get3A_1, %dot_general3A_17 {dimension_numbers = #tpu.dot_dimension_numbers<[1], [1], [0], [0], [0, 0, 1, 0], [], []>, transpose_lhs_hint = false} : vector<320x512xf32>, vector<1024x512xf32>, vector<320x1024xf32> -> vector<320x1024xf32>
    %iota3A = tpu.iota {dimensions = array<i32: 0>} : vector<320x1024xi32>
    %reduce_max3A = arith.constant dense<0xFF800000> : vector<1024xf32>
    %reduce_max3A_19 = vector.multi_reduction <maximumf>, %dot_general3A_13, %reduce_max3A [0] : vector<320x1024xf32> to vector<1024xf32>
    %broadcast_in_dim3A = vector.shape_cast %reduce_max3A_19 : vector<1024xf32> to vector<1x1024xf32>
    %reduce_max3A_20 = arith.constant dense<0xFF800000> : vector<1024xf32>
    %reduce_max3A_21 = vector.multi_reduction <maximumf>, %dot_general3A_18, %reduce_max3A_20 [0] : vector<320x1024xf32> to vector<1024xf32>
    %broadcast_in_dim3A_22 = vector.shape_cast %reduce_max3A_21 : vector<1024xf32> to vector<1x1024xf32>
    %eq3A_23 = vector.broadcast %broadcast_in_dim3A : vector<1x1024xf32> to vector<320x1024xf32>
    %eq3A_24 = arith.cmpf oeq, %dot_general3A_13, %eq3A_23 : vector<320x1024xf32>
    %eq3A_25 = vector.broadcast %broadcast_in_dim3A_22 : vector<1x1024xf32> to vector<320x1024xf32>
    %eq3A_26 = arith.cmpf oeq, %dot_general3A_18, %eq3A_25 : vector<320x1024xf32>
    %jit3A = arith.constant 320 : i32
    %broadcast_in_dim3A_27 = vector.broadcast %jit3A : i32 to vector<320x1024xi32>
    %select_n3A_28 = arith.select %eq3A_24, %iota3A, %broadcast_in_dim3A_27 : vector<320x1024xi1>, vector<320x1024xi32>
    %reduce_min3A = arith.constant dense<2147483647> : vector<1024xi32>
    %reduce_min3A_29 = vector.multi_reduction <minsi>, %select_n3A_28, %reduce_min3A [0] : vector<320x1024xi32> to vector<1024xi32>
    %broadcast_in_dim3A_30 = vector.shape_cast %reduce_min3A_29 : vector<1024xi32> to vector<1x1024xi32>
    %jit3A_31 = arith.constant 320 : i32
    %broadcast_in_dim3A_32 = vector.broadcast %jit3A_31 : i32 to vector<320x1024xi32>
    %select_n3A_33 = arith.select %eq3A_26, %iota3A, %broadcast_in_dim3A_32 : vector<320x1024xi1>, vector<320x1024xi32>
    %reduce_min3A_34 = arith.constant dense<2147483647> : vector<1024xi32>
    %reduce_min3A_35 = vector.multi_reduction <minsi>, %select_n3A_33, %reduce_min3A_34 [0] : vector<320x1024xi32> to vector<1024xi32>
    %broadcast_in_dim3A_36 = vector.shape_cast %reduce_min3A_35 : vector<1024xi32> to vector<1x1024xi32>
    %add3A = arith.constant 320 : i32
    %add3A_37 = vector.broadcast %add3A : i32 to vector<1x1024xi32>
    %add3A_38 = arith.addi %broadcast_in_dim3A_36, %add3A_37 : vector<1x1024xi32>
    %reshape3A = vector.shape_cast %broadcast_in_dim3A_30 : vector<1x1024xi32> to vector<8x128xi32>
    %swap3A = arith.constant 0 : index
    %swap3A_39 = arith.constant 0 : index
    %swap3A_40 = vector.load %arg4[%swap3A, %swap3A_39] : memref<8x128xi32, #tpu.memory_space<vmem>>, vector<8x128xi32>
    tpu.vector_store %arg4[%swap3A, %swap3A_39], %reshape3A {strides = array<i32>} : memref<8x128xi32, #tpu.memory_space<vmem>>, vector<8x128xi32>,
    %reshape3A_41 = vector.shape_cast %add3A_38 : vector<1x1024xi32> to vector<8x128xi32>
    %swap3A_42 = arith.constant 0 : index
    %swap3A_43 = arith.constant 0 : index
    %swap3A_44 = vector.load %arg5[%swap3A_42, %swap3A_43] : memref<8x128xi32, #tpu.memory_space<vmem>>, vector<8x128xi32>
    tpu.vector_store %arg5[%swap3A_42, %swap3A_43], %reshape3A_41 {strides = array<i32>} : memref<8x128xi32, #tpu.memory_space<vmem>>, vector<8x128xi32>,
    %convert_element_type3A_45 = arith.extui %eq3A_24 : vector<320x1024xi1> to vector<320x1024xi32>
    %convert_element_type3A_46 = arith.sitofp %convert_element_type3A_45 : vector<320x1024xi32> to vector<320x1024xf32>
    %dot_general3A_47 = arith.constant dense<0.000000e+00> : vector<320x1xf32>
    %dot_general3A_48 = tpu.matmul %convert_element_type3A_46, %select_n3A, %dot_general3A_47 {dimension_numbers = #tpu.dot_dimension_numbers<[1], [1], [0], [0], [0, 0, 1, 0], [], []>, transpose_lhs_hint = false} : vector<320x1024xf32>, vector<1x1024xf32>, vector<320x1xf32> -> vector<320x1xf32>
    %convert_element_type3A_49 = arith.extui %eq3A_26 : vector<320x1024xi1> to vector<320x1024xi32>
    %convert_element_type3A_50 = arith.sitofp %convert_element_type3A_49 : vector<320x1024xi32> to vector<320x1024xf32>
    %dot_general3A_51 = arith.constant dense<0.000000e+00> : vector<320x1xf32>
    %dot_general3A_52 = tpu.matmul %convert_element_type3A_50, %select_n3A, %dot_general3A_51 {dimension_numbers = #tpu.dot_dimension_numbers<[1], [1], [0], [0], [0, 0, 1, 0], [], []>, transpose_lhs_hint = false} : vector<320x1024xf32>, vector<1x1024xf32>, vector<320x1xf32> -> vector<320x1xf32>
    %concatenate3A = tpu.concatenate %dot_general3A_48, %dot_general3A_52 in 1 : vector<320x1xf32>, vector<320x1xf32> -> vector<320x2xf32>
    %eq3A_53 = arith.constant 0 : i32
    %eq3A_54 = arith.cmpi eq, %arg0, %eq3A_53 : i32
    %convert_element_type3A_55 = arith.extui %eq3A_54 : i1 to i32
    %cond3A = arith.constant 0 : i32
    %cond3A_56 = arith.cmpi ne, %convert_element_type3A_55, %cond3A : i32
    scf.if %cond3A_56 {
      %broadcast_in_dim3A_69 = arith.constant 0.000000e+00 : f32
      %broadcast_in_dim3A_70 = vector.broadcast %broadcast_in_dim3A_69 : f32 to vector<320x2xf32>
      %swap3A_71 = arith.constant 0 : index
      %swap3A_72 = arith.constant 0 : index
      %swap3A_73 = vector.load %arg6[%swap3A_71, %swap3A_72] : memref<320x2xf32, #tpu.memory_space<vmem>>, vector<320x2xf32>
      tpu.vector_store %arg6[%swap3A_71, %swap3A_72], %broadcast_in_dim3A_70 {strides = array<i32>} : memref<320x2xf32, #tpu.memory_space<vmem>>, vector<320x2xf32>,
    } else {
    }
    %get3A_57 = arith.constant 0 : index
    %get3A_58 = arith.constant 0 : index
    %get3A_59 = vector.load %arg6[%get3A_57, %get3A_58] : memref<320x2xf32, #tpu.memory_space<vmem>>, vector<320x2xf32>
    %add3A_60 = arith.addf %get3A_59, %concatenate3A : vector<320x2xf32>
    %swap3A_61 = arith.constant 0 : index
    %swap3A_62 = arith.constant 0 : index
    %swap3A_63 = vector.load %arg6[%swap3A_61, %swap3A_62] : memref<320x2xf32, #tpu.memory_space<vmem>>, vector<320x2xf32>
    tpu.vector_store %arg6[%swap3A_61, %swap3A_62], %add3A_60 {strides = array<i32>} : memref<320x2xf32, #tpu.memory_space<vmem>>, vector<320x2xf32>,
    %eq3A_64 = arith.constant 1 : i32
    %eq3A_65 = arith.cmpi eq, %arg0, %eq3A_64 : i32
    %convert_element_type3A_66 = arith.extui %eq3A_65 : i1 to i32
    %cond3A_67 = arith.constant 0 : i32
    %cond3A_68 = arith.cmpi ne, %convert_element_type3A_66, %cond3A_67 : i32
    scf.if %cond3A_68 {
      %get3A_69 = arith.constant 0 : index
      %get3A_70 = arith.constant 0 : index
      %get3A_71 = vector.load %arg6[%get3A_69, %get3A_70] : memref<320x2xf32, #tpu.memory_space<vmem>>, vector<320x2xf32>
      %slice3A_72 = vector.extract_strided_slice %get3A_71 {offsets = [0, 0], sizes = [320, 1], strides = [1, 1]} : vector<320x2xf32> to vector<320x1xf32>
      %reduce_sum3A = vector.shape_cast %slice3A_72 : vector<320x1xf32> to vector<1x320x1xf32>
      %reduce_sum3A_73 = arith.constant dense<0.000000e+00> : vector<1xf32>
      %reduce_sum3A_74 = vector.multi_reduction <add>, %reduce_sum3A, %reduce_sum3A_73 [1, 2] : vector<1x320x1xf32> to vector<1xf32>
      %reduce_sum3A_75 = vector.shape_cast %reduce_sum3A_74 : vector<1xf32> to vector<1x1x1xf32>
      %reduce_sum3A_76 = vector.extract %reduce_sum3A_75[0, 0, 0] : f32 from vector<1x1x1xf32>
      %broadcast_in_dim3A_77 = vector.broadcast %reduce_sum3A_76 : f32 to vector<1x1xf32>
      %div3A = vector.broadcast %broadcast_in_dim3A_77 : vector<1x1xf32> to vector<320x2xf32>
      %div3A_78 = arith.divf %get3A_71, %div3A : vector<320x2xf32>
      %add3A_79 = arith.constant 1.000000e-07 : f32
      %add3A_80 = vector.broadcast %add3A_79 : f32 to vector<320x2xf32>
      %add3A_81 = arith.addf %div3A_78, %add3A_80 : vector<320x2xf32>
      %log3A = math.log %add3A_81 : vector<320x2xf32>
      %mul3A = arith.mulf %div3A_78, %log3A : vector<320x2xf32>
      %reduce_sum3A_82 = arith.constant dense<0.000000e+00> : vector<2xf32>
      %reduce_sum3A_83 = vector.multi_reduction <add>, %mul3A, %reduce_sum3A_82 [0] : vector<320x2xf32> to vector<2xf32>
      %broadcast_in_dim3A_84 = vector.shape_cast %reduce_sum3A_83 : vector<2xf32> to vector<1x2xf32>
      %neg3A = arith.constant 0.000000e+00 : f32
      %neg3A_85 = vector.broadcast %neg3A : f32 to vector<1x2xf32>
      %neg3A_86 = arith.subf %neg3A_85, %broadcast_in_dim3A_84 : vector<1x2xf32>
      %exp3A = math.exp %neg3A_86 : vector<1x2xf32>
      %reduce_sum3A_87 = arith.constant dense<0.000000e+00> : vector<1xf32>
      %reduce_sum3A_88 = vector.multi_reduction <add>, %exp3A, %reduce_sum3A_87 [1] : vector<1x2xf32> to vector<1xf32>
      %broadcast_in_dim3A_89 = vector.shape_cast %reduce_sum3A_88 : vector<1xf32> to vector<1x1xf32>
      %swap3A_90 = arith.constant 0 : index
      %swap3A_91 = arith.constant 0 : index
      %swap3A_92 = vector.load %arg7[%swap3A_90, %swap3A_91] : memref<1x1xf32, #tpu.memory_space<vmem>>, vector<1x1xf32>
      tpu.vector_store %arg7[%swap3A_90, %swap3A_91], %broadcast_in_dim3A_89 {strides = array<i32>} : memref<1x1xf32, #tpu.memory_space<vmem>>, vector<1x1xf32>,
    } else {
    }
    return
  }
  func.func @transform_0(%arg0: i32) -> (i32, i32) {
    %c0_i32 = arith.constant 0 : i32
    %c0_i32_0 = arith.constant 0 : i32
    return %arg0, %c0_i32 : i32, i32
  }
  func.func @transform_1(%arg0: i32) -> (i32, i32) {
    %c0_i32 = arith.constant 0 : i32
    %c0_i32_0 = arith.constant 0 : i32
    %c0_i32_1 = arith.constant 0 : i32
    return %c0_i32, %c0_i32_0 : i32, i32
  }
  func.func @transform_2(%arg0: i32) -> (i32, i32) {
    %c0_i32 = arith.constant 0 : i32
    %c0_i32_0 = arith.constant 0 : i32
    %c0_i32_1 = arith.constant 0 : i32
    return %c0_i32, %c0_i32_0 : i32, i32
  }
  func.func @transform_3(%arg0: i32) -> (i32, i32) {
    %c0_i32 = arith.constant 0 : i32
    %c0_i32_0 = arith.constant 0 : i32
    return %arg0, %c0_i32 : i32, i32
  }
  func.func @transform_4(%arg0: i32) -> (i32, i32) {
    %c0_i32 = arith.constant 0 : i32
    %c0_i32_0 = arith.constant 0 : i32
    return %arg0, %c0_i32 : i32, i32
  }
  func.func @transform_5(%arg0: i32) -> (i32, i32) {
    %c0_i32 = arith.constant 0 : i32
    %c0_i32_0 = arith.constant 0 : i32
    %c0_i32_1 = arith.constant 0 : i32
    return %c0_i32, %c0_i32_0 : i32, i32
  }
  func.func @transform_6(%arg0: i32) -> (i32, i32) {
    %c0_i32 = arith.constant 0 : i32
    %c0_i32_0 = arith.constant 0 : i32
    %c0_i32_1 = arith.constant 0 : i32
    return %c0_i32, %c0_i32_0 : i32, i32
  }
}

</mosaic_0001>

<sc_bundles>
// kernel: kernel.4.cloned.1.call-start
scs
__scs_entry_jumppad:
0x0: {  	(pc) =	sbr.rel $0x88, $3  }
0x1: {  	(tag) =	ssettag $0x0;
	lr =	simm.s32 $0x1  }
0x2: {  	[smem:$0x3F9D] =	sst lr;
	_ =	strace $0xD0000000  }
0x3: {  	_ = 	snop  }
0x4: {  	_ = 	snop  }
0x5: {  	_ = 	snop  }
0x6: {  	_ = 	snop  }
0x7: {  	_ = 	snop  }
__scs_overlays_trampoline_lowered:
0x8: {  	[smem:$0x3FAC] =	sst s0  }
0x9: {  	[smem:$0x3FAD] =	sst s1  }
0xa: {  	[smem:$0x3FAE] =	sst s2  }
0xb: {  	[smem:$0x3FAF] =	sst s3  }
0xc: {  	[smem:$0x3FB0] =	sst s4  }
0xd: {  	[smem:$0x3FB1] =	sst s5  }
0xe: {  	[smem:$0x3FB2] =	sst s6  }
0xf: {  	[smem:$0x3FB3] =	sst s7  }
0x10: {  	[smem:$0x3FB4] =	sst s8  }
0x11: {  	[smem:$0x3FB5] =	sst s9;
	s0 =	simm.s32 @!p0 $0x0  }
0x12: {  	s1 =	sld [smem:$0x3F9B];
	s0 =	simm.s32 @p0 $0x1  }
0x13: {  	[smem:$0x3FB6] =	sst s0;
	s0 =	simm.s32 @!p1 $0x0  }
0x14: {  	s2 =	sld [smem:$0x3F9A];
	s0 =	simm.s32 @p1 $0x1  }
0x15: {  	[smem:$0x3FB7] =	sst s0;
	s0 =	simm.s32 @!p2 $0x0  }
0x16: {  	s3 =	sld [smem:$0x3FDB];
	s0 =	simm.s32 @p2 $0x1  }
0x17: {  	s4 =	simm.s32 $0x1BF5;
	[smem:$0x3FB9] =	sst s0  }
0x18: {  	s0 =	sld [smem:$0x3F9C];
	_ =	swait.ge [sflag:s4], $0x0  }
0x19: {  	s7 =	sld [smem:$0x3F9D]  }
0x1a: {  	s8 =	sadd.s32 $0xFFFFE003, lr  }
0x1b: {  	s9 =	sadd.s32 $0xFFFFFEF7, lr;
	s5 =	simm.s32 $0xFFFFFFFF;
	p2 =	slt.u32 s8, $0xFFFFF086  }
0x1c: {  	p1 =	slt.u32 s9, $0xF7A;
	s5 =	simm.s32 @!p2 $0x0  }
0x1d: {  	s5 =	simm.s32 @p1 $0x1;
	p0 =	seq.s32 s7, s2  }
0x1e: {  	s7 =	smul.u32 @!p0 $0xF7A, s2;
	p2 =	seq.s32 @!p0 s5, $0x0  }
0x1f: {  	s9 =	smul.u32 $0xF7A, s1;
	s8 =	simm.s32 @!p0 $0x1BF5;
	p2 =	por !p2, p0  }
0x20: {  	[sflag:s8] =	ssyncset.s32 @!p0 $0xFFFFF086;
	s6 =	sadd.s32 @!p0 s3, s7;
	s7 =	simm.s32 @!p0 $0x108  }
0x21: {  	s3 =	sadd.s32 s3, s9;
	s6 =	sadd.s32 @!p0 $0x88, s6;
	s7 =	simm.s32 @p2 $0x1082  }
0x22: {  	[simem:s7], [sflag:s8] =	dma.local @!p0 [hbm:s6], $0xF7A  }
0x23: {  	s9 =	sor.u32 $0xD0000000, s2;
	s6 =	simm.s32 $0x108;
	_ =	swait.ge @!p0 [sflag:s8], $0x0  }
0x24: {  	s3 =	sadd.s32 $0x88, s3;
	s6 =	simm.s32 @!p1 $0x1082;
	[sflag:s4] =	ssyncset.s32 $0xFFFFF086  }
0x25: {  	[simem:s6], [sflag:s4] =	dma.local [hbm:s3], $0xF7A  }
0x26: {  	[smem:$0x3F9D] =	sst s1;
	(tag) =	ssettag s2;
	_ =	strace s9  }
0x27: {  	s1 =	sld [smem:$0x3FAD]  }
0x28: {  	s2 =	sld [smem:$0x3FAE]  }
0x29: {  	s4 =	sld [smem:$0x3FB0]  }
0x2a: {  	p0 =	seq.s32 s5, $0x0;
	s5 =	sld [smem:$0x3FB1]  }
0x2b: {  	s6 =	sld [smem:$0x3FB2]  }
0x2c: {  	s7 =	sld [smem:$0x3FB3]  }
0x2d: {  	s3 =	simm.s32 $0x108;
	s8 =	sld [smem:$0x3FB4]  }
0x2e: {  	s3 =	simm.s32 @!p0 $0x1082;
	s9 =	sld [smem:$0x3FB5]  }
0x2f: {  	lr =	sadd.s32 s0, s3;
	s0 =	sld [smem:$0x3FAC]  }
0x30: {  	s3 =	sld [smem:$0x3FAF]  }
0x31: {  	[smem:$0x3FB8] =	sst s10  }
0x32: {  	s10 =	sld [smem:$0x3FB6];
	_ =	sdelay $0x3  }
0x33: {  	p0 =	seq.s32 s10, $0x1;
	s10 =	sld [smem:$0x3FB8];
	_ =	sdelay $0x3  }
0x34: {  	[smem:$0x3FB8] =	sst s10  }
0x35: {  	s10 =	sld [smem:$0x3FB7];
	_ =	sdelay $0x3  }
0x36: {  	p1 =	seq.s32 s10, $0x1;
	s10 =	sld [smem:$0x3FB8];
	_ =	sdelay $0x3  }
0x37: {  	[smem:$0x3FB8] =	sst s10  }
0x38: {  	s10 =	sld [smem:$0x3FB9]  }
0x39: {  	_ = 	snop;
	(pc) =	sbr.ind lr, $3  }
0x3a: {  	_ = 	snop  }
0x3b: {  	_ = 	snop  }
0x3c: {  	p2 =	seq.s32 s10, $0x1;
	s10 =	sld [smem:$0x3FB8]  }
0x3d: {  	_ =	shalt  }
0x3e: {  	_ =	shalt  }
0x3f: {  	_ =	shalt  }
0x40: {  	_ =	shalt  }
0x41: {  	_ =	shalt  }
0x42: {  	_ =	shalt  }
0x43: {  	_ =	shalt  }
0x44: {  	_ =	shalt  }
0x45: {  	_ =	shalt  }
0x46: {  	_ =	shalt  }
0x47: {  	_ =	shalt  }
0x48: {  	_ =	shalt  }
0x49: {  	_ =	shalt  }
0x4a: {  	_ =	shalt  }
0x4b: {  	_ =	shalt  }
0x4c: {  	_ =	shalt  }
0x4d: {  	_ =	shalt  }
0x4e: {  	_ =	shalt  }
0x4f: {  	_ =	shalt  }
0x50: {  	_ =	shalt  }
0x51: {  	_ =	shalt  }
0x52: {  	_ =	shalt  }
0x53: {  	_ =	shalt  }
0x54: {  	_ =	shalt  }
0x55: {  	_ =	shalt  }
0x56: {  	_ =	shalt  }
0x57: {  	_ =	shalt  }
0x58: {  	_ =	shalt  }
0x59: {  	_ =	shalt  }
0x5a: {  	_ =	shalt  }
0x5b: {  	_ =	shalt  }
0x5c: {  	_ =	shalt  }
0x5d: {  	_ =	shalt  }
0x5e: {  	_ =	shalt  }
0x5f: {  	_ =	shalt  }
0x60: {  	_ =	shalt  }
0x61: {  	_ =	shalt  }
0x62: {  	_ =	shalt  }
0x63: {  	_ =	shalt  }
0x64: {  	_ =	shalt  }
0x65: {  	_ =	shalt  }
0x66: {  	_ =	shalt  }
0x67: {  	_ =	shalt  }
0x68: {  	_ =	shalt  }
0x69: {  	_ =	shalt  }
0x6a: {  	_ =	shalt  }
0x6b: {  	_ =	shalt  }
0x6c: {  	_ =	shalt  }
0x6d: {  	_ =	shalt  }
0x6e: {  	_ =	shalt  }
0x6f: {  	_ =	shalt  }
0x70: {  	_ =	shalt  }
0x71: {  	_ =	shalt  }
0x72: {  	_ =	shalt  }
0x73: {  	_ =	shalt  }
0x74: {  	_ =	shalt  }
0x75: {  	_ =	shalt  }
0x76: {  	_ =	shalt  }
0x77: {  	_ =	shalt  }
0x78: {  	_ =	shalt  }
0x79: {  	_ =	shalt  }
0x7a: {  	_ =	shalt  }
0x7b: {  	_ =	shalt  }
0x7c: {  	_ =	shalt  }
0x7d: {  	_ =	shalt  }
0x7e: {  	_ =	shalt  }
0x7f: {  	_ =	shalt  }
0x80: {  	_ =	shalt  }
0x81: {  	_ =	shalt  }
0x82: {  	_ =	shalt  }
0x83: {  	_ =	shalt  }
0x84: {  	_ =	shalt  }
0x85: {  	_ =	shalt  }
0x86: {  	_ =	shalt  }
0x87: {  	_ =	shalt  }
.Lfunc_end0:
.L_simem_size_0:
called_computation_lowered:
.L_overlay_start_0:
0x88: {  	s0 =	sld [smem:$0x3FD9]  }
0x89: {  	s1 =	sld [smem:$0x3FFE];
	_ =	sdelay $0x3  }
0x8a: {  	s0 =	sadd.s32 s1, s0  }
0x8b: {  	[smem:$0x3FC4] =	sst s0  }
0x8c: {  	_ = 	snop  }
0x8d: {  	s0 =	sld [smem:$0x3FD0];
	_ =	sdelay $0x2  }
0x8e: {  	s2 =	simm.s32 $0xA;
	s3 =	simm.s32 $0x10;
	s13 =	sld [smem:$0x3FC6]  }
0x8f: {  	[smem:s3], [sflag:s2] =	dma.local [hbm:s0], $0x1  }
0x90: {  	_ =	swait.eq [sflag:s2], $0x1  }
0x91: {  	[sflag:s2] =	ssyncset.done $0x0  }
0x92: {  	[sflag:s2] =	ssyncadd.s32 $0xFFFFFFFF  }
0x93: {  	s14 =	sld [smem:$0x10];
	(tm) =	ssettm $0x1  }
0x94: {  	s15 =	sld [smem:$0x3FFB];
	_ =	sdelay $0x3  }
0x95: {  	_ =	strace s15  }
0x96: {  	s2 =	sld [smem:$0x3FFC];
	_ =	sdelay $0x3  }
0x97: {  	_ =	strace s2  }
0x98: {  	s2 =	sld [smem:$0x3FFD];
	_ =	sdelay $0x3  }
0x99: {  	_ =	strace s2  }
0x9a: {  	_ =	strace $0x8FFFFFFF  }
0x9b: {  	s16 =	sld [smem:$0x3FDB];
	_ =	sdelay $0x1  }
0x9c: {  	s17 =	simm.s32 $_scs_section_size  }
0x9d: {  	s4 =	simm.s32 $_size__tile_overlayer_lowered;
	s5 =	simm.s32 $_tile_overlayer_lowered  }
0x9e: {  	s20 =	simm.s32 $0x1BFF;
	s19 =	sshll.u32 s5, $0x1;
	s2 =	sadd.s32 s17, s16  }
0x9f: {  	s6 =	simm.s32 $0x0;
	s18 =	sshll.u32 s4, $0x1;
	s4 =	sadd.s32 s19, s2  }
0xa0: {  	[timem:s6], [sflag:s20] =	dma.local [hbm:s4], s18  }
0xa1: {  	_ =	swait.ge [sflag:s20], s18  }
0xa2: {  	s3 =	ssub.s32 $0x0, s18;
	[sflag:s20] =	ssyncset.done $0x0  }
0xa3: {  	[sflag:s20] =	ssyncadd.s32 s3;
	_ =	sdelay $0x1  }
0xa4: {  	s21 =	simm.s32 $0x1B8B  }
0xa5: {  	_ =	swait.ge [sflag:s21], $0x1  }
0xa6: {  	[sflag:s21] =	ssyncset.done $0x0  }
0xa7: {  	s23 =	simm.s32 $0x1B8E;
	s22 =	sld [smem:$0x3FFE];
	[sflag:s21] =	ssyncadd.s32 $0xFFFFFFFF  }
0xa8: {  	s24 =	simm.s32 $execute0_lowered;
	[smem:$0x3FD2] =	sst s23  }
0xa9: {  	s4 =	sshll.u32 s24, $0x1;
	_ =	strace $0x80000046;
	[dreg:$0x1] =	wrdreg $0xFFFFFFFF  }
0xaa: {  	s25 =	simm.s32 $_size_execute0_lowered;
	s2 =	sadd.s32 s2, s4;
	[dreg:$0x0] =	wrdreg $0x0  }
0xab: {  	s4 =	sshll.u32 s25, $0x1;
	[dreg:$0x2] =	wrdreg s2  }
0xac: {  	[dreg:$0x3] =	wrdreg s4  }
0xad: {  	[dreg:$0x4] =	wrdreg $0xC0  }
0xae: {  	_ =	task [dreg:s6], $0x5FFFF  }
0xaf: {  	[dreg:$0x1] =	wrdreg $0xFFFFFFFF  }
0xb0: {  	[dreg:$0x0] =	wrdreg $0x60  }
0xb1: {  	[dreg:$0x2] =	wrdreg s13  }
0xb2: {  	[dreg:$0x3] =	wrdreg s14  }
0xb3: {  	[dreg:$0x4] =	wrdreg s22  }
0xb4: {  	[dreg:$0x5] =	wrdreg $0x9  }
0xb5: {  	_ =	task.clear_ibuf [dreg:s6], $0x6FFFF;
	_ =	strace $0x90000046  }
0xb6: {  	s26 =	simm.s32 $0x9;
	_ =	strace $0x80000048  }
0xb7: {  	_ =	swait.ge [sflag:s26], $0x1  }
0xb8: {  	[sflag:s26] =	ssyncadd.s32 $0xFFFFFFFF  }
0xb9: {  	_ =	strace $0x90000048  }
0xba: {  	_ =	sfence  }
0xbb: {  	s28 =	sld [smem:$0x0];
	_ =	sdelay $0x1  }
0xbc: {  	s29 =	srdreg.scid  }
0xbd: {  	s30 =	sshll.u32 s29, $0xD;
	s31 =	sshrl.u32 s29, $0x2  }
0xbe: {  	s1 =	sand.u32 $0x1, s29;
	s2 =	sand.u32 $0x4000, s30;
	s0 =	sadd.s32 s31, s28  }
0xbf: {  	s1 =	sor.u32 s2, s1;
	s0 =	sshll.u32 s0, $0x11  }
0xc0: {  	s0 =	sor.u32 s0, s1  }
0xc1: {  	s0 =	sadd.s32 $0x8F2B, s0  }
0xc2: {  	[sflag:s0] =	ssyncadd.remote.s32 $0x1  }
0xc3: {  	_ =	sfence.sel $0xFFFF  }
0xc4: {  	[dreg:$0x0] =	wrdreg $0xFFFFFFFF;
	(pc) =	sbr.abs _section_cstart, $3  }
0xc5: {  	[dreg:$0x1] =	wrdreg $0xFFFFFFFF  }
0xc6: {  	_ =	task.clear_ibuf [dreg:s6], $0x2FFFF;
	_ =	strace $0x9FFFFFFF  }
0xc7: {  	(tm) =	ssettm $0x7FFFFFFF  }
tec
execute0_lowered:
.L_overlay_start_1:
0x0: {  	(tag) =	ssettag $0x1  }
0x1: {  	s4 =	rddreg [dreg:$0x0]  }
0x2: {  	s5 =	rddreg [dreg:$0x1]  }
0x3: {  	s3 =	rddreg [dreg:$0x2]  }
0x4: {  	s0 =	rddreg [dreg:$0x3];
	s2 =	simm.s32 $0x0;
	s1 =	stileid.u32  }
0x5: {  	[smem:$0x7FF] =	sst s2;
	s6 =	sshll.u32 s1, $0x4  }
0x6: {  	s26 =	simm.s32 $0x2;
	_ =	strace $0x80000047;
	s5 =	sadd.s32 s5, s6  }
0x7: {  	[tilespmem:s2], [sflag:$0x2] =	stream.linear.gather [hbm4b:s5+s2], $0x80, $0x38;
	[tilespmem:$0x8200] =	vst v63  }
0x8: {  	_ =	swait.ge [sflag:s26], $0x80  }
0x9: {  	s6 =	sadd.s32 s6, s3;
	[sflag:s26] =	ssyncset.done $0x0  }
0xa: {  	s7 =	simm.s32 $0x80;
	s6 =	sadd.s32 $0xE00, s6;
	[sflag:s26] =	ssyncadd.s32 $0xFFFFFF80  }
0xb: {  	[tilespmem:s7], [sflag:$0x2] =	stream.linear.gather [hbm4b:s6+s2], $0x80, $0x38;
	[tilespmem:$0x8200] =	vst v63  }
0xc: {  	_ =	swait.ge [sflag:s26], $0x80  }
0xd: {  	[sflag:s26] =	ssyncset.done $0x0  }
0xe: {  	[sflag:s26] =	ssyncadd.s32 $0xFFFFFF80  }
0xf: {  	v0 =	vld [tilespmem:$0x0]  }
0x10: {  	v1 =	vld [tilespmem:$0x80]  }
0x11: {  	v2 =	vld [tilespmem:$0x0]  }
0x12: {  	v3 =	vld [tilespmem:$0x80]  }
0x13: {  	v4 =	vld [tilespmem:$0x10]  }
0x14: {  	v5 =	vld [tilespmem:$0x90]  }
0x15: {  	v6 =	vld [tilespmem:$0x10]  }
0x16: {  	v7 =	vld [tilespmem:$0x90]  }
0x17: {  	v8 =	vld [tilespmem:$0x20]  }
0x18: {  	v9 =	vld [tilespmem:$0xA0]  }
0x19: {  	v10 =	vld [tilespmem:$0x20]  }
0x1a: {  	v11 =	vld [tilespmem:$0xA0]  }
0x1b: {  	v12 =	vld [tilespmem:$0x30]  }
0x1c: {  	v13 =	vld [tilespmem:$0xB0]  }
0x1d: {  	v14 =	vld [tilespmem:$0x30]  }
0x1e: {  	vm0 =	vcmask $0xB08;
	vm1 =	vcmask $0x300;
	v15 =	vld [tilespmem:$0xB0]  }
0x1f: {  	vm10 =	vcmask $0x1310;
	vm0 =	vmor vm1, vm0;
	v16 =	vld [tilespmem:$0x40]  }
0x20: {  	v17 =	vlaneseq.u32;
	vm11 =	vcmask $0x1B18;
	vm0 =	vmor vm0, vm10;
	v18 =	vld [tilespmem:$0xC0]  }
0x21: {  	vm12 =	vcmask $0x2320;
	vm13 =	vcmask $0x2B28;
	vm0 =	vmor vm0, vm11;
	v19 =	vld [tilespmem:$0x40]  }
0x22: {  	vm14 =	vcmask $0x3330;
	v17 =	vshrl.u32 v17, $0x1;
	vm0 =	vmor vm0, vm12;
	v20 =	vld [tilespmem:$0xC0]  }
0x23: {  	vm15 =	vcmask $0x3B38;
	v22 =	vor.u32 $0x8, v17;
	vm0 =	vmor vm0, vm13;
	v21 =	vld [tilespmem:$0x50]  }
0x24: {  	vm0 =	vmor vm0, vm14;
	v23 =	vld [tilespmem:$0xD0];
	v0 =	vperm.xlane v0, v17;
	v1 =	vperm.xlane v1, v17  }
0x25: {  	vm0 =	vmor vm0, vm15;
	v24 =	vld [tilespmem:$0x50];
	v2 =	vperm.xlane v2, v22;
	v3 =	vperm.xlane v3, v22  }
0x26: {  	v53 =	vld [tilespmem:$0xD0];
	v51 =	vperm.xlane v4, v17;
	v52 =	vperm.xlane v5, v17;
	v0 =	vsel vm0, v0, v1  }
0x27: {  	v57 =	vld [tilespmem:$0x60];
	v55 =	vperm.xlane v6, v22;
	v56 =	vperm.xlane v7, v22;
	v54 =	vsel vm0, v2, v3;
	[tilespmem:$0x100] =	vst v0  }
0x28: {  	v61 =	vld [tilespmem:$0xE0];
	v59 =	vperm.xlane v8, v17;
	v60 =	vperm.xlane v9, v17;
	v58 =	vsel vm0, v51, v52;
	[tilespmem:$0x110] =	vst v54  }
0x29: {  	v26 =	vld [tilespmem:$0x60];
	v63 =	vperm.xlane v10, v22;
	v25 =	vperm.xlane v11, v22;
	v62 =	vsel vm0, v55, v56;
	[tilespmem:$0x120] =	vst v58  }
0x2a: {  	v30 =	vld [tilespmem:$0xE0];
	v28 =	vperm.xlane v12, v17;
	v29 =	vperm.xlane v13, v17;
	v27 =	vsel vm0, v59, v60;
	[tilespmem:$0x130] =	vst v62  }
0x2b: {  	v42 =	vld [tilespmem:$0x70];
	v32 =	vperm.xlane v14, v22;
	v33 =	vperm.xlane v15, v22;
	v31 =	vsel vm0, v63, v25;
	[tilespmem:$0x140] =	vst v27  }
0x2c: {  	v46 =	vld [tilespmem:$0xF0];
	v36 =	vperm.xlane v16, v17;
	v37 =	vperm.xlane v18, v17;
	v35 =	vsel vm0, v28, v29;
	[tilespmem:$0x150] =	vst v31  }
0x2d: {  	v34 =	vld [tilespmem:$0x70];
	v40 =	vperm.xlane v19, v22;
	v41 =	vperm.xlane v20, v22;
	v39 =	vsel vm0, v32, v33;
	[tilespmem:$0x160] =	vst v35  }
0x2e: {  	v38 =	vld [tilespmem:$0xF0];
	v44 =	vperm.xlane v21, v17;
	v45 =	vperm.xlane v23, v17;
	v43 =	vsel vm0, v36, v37;
	[tilespmem:$0x170] =	vst v39  }
0x2f: {  	v48 =	vperm.xlane v24, v22;
	v49 =	vperm.xlane v53, v22;
	v47 =	vsel vm0, v40, v41;
	[tilespmem:$0x180] =	vst v43  }
0x30: {  	v50 =	vsel vm0, v44, v45;
	v51 =	vperm.xlane v57, v17;
	v52 =	vperm.xlane v61, v17;
	[tilespmem:$0x190] =	vst v47  }
0x31: {  	v53 =	vsel vm0, v48, v49;
	v60 =	vperm.xlane v42, v22;
	v61 =	vperm.xlane v46, v22;
	[tilespmem:$0x1A0] =	vst v50  }
0x32: {  	v55 =	vperm.xlane v30, v22;
	v54 =	vperm.xlane v26, v22;
	[tilespmem:$0x1B0] =	vst v53;
	v56 =	vsel vm0, v51, v52  }
0x33: {  	v57 =	vperm.xlane v34, v17;
	v58 =	vperm.xlane v38, v17;
	v63 =	vsel vm0, v60, v61;
	[tilespmem:$0x1C0] =	vst v56  }
0x34: {  	v59 =	vsel vm0, v54, v55;
	[tilespmem:$0x1F0] =	vst v63  }
0x35: {  	v62 =	vsel vm0, v57, v58;
	[tilespmem:$0x1D0] =	vst v59  }
0x36: {  	s28 =	simm.s32 $0x100;
	s29 =	simm.s32 $0x200;
	s30 =	simm.s32 $0x1;
	[tilespmem:$0x1E0] =	vst v62  }
0x37: {  	[tilespmem:s29], [sflag:$0x1] =	stream.indirect.gather [hbm4b:s4+s28], $0x80, s28, s28, $0xb8;
	[tilespmem:$0x8200] =	vst v63  }
0x38: {  	s31 =	sshll.u32 s1, $0xC;
	_ =	swait.ge [sflag:s30], $0x8000  }
0x39: {  	s3 =	sadd.s32 s31, s3;
	[sflag:s30] =	ssyncset.done $0x0  }
0x3a: {  	s3 =	sadd.s32 $0x1000, s3;
	[sflag:s30] =	ssyncadd.s32 $0xFFFF8000  }
0x3b: {  	[hbm4b:s3+s2] =	stream.linear.scatter [tilespmem:s29], [sflag:$0x2], $0x8000, $0x38;
	[tilespmem:$0x8200] =	vst v63  }
0x3c: {  	_ =	swait.ge [sflag:s26], $0x8000  }
0x3d: {  	[sflag:s26] =	ssyncset.done $0x0  }
0x3e: {  	[sflag:s26] =	ssyncadd.s32 $0xFFFF8000  }
0x3f: {  	_ =	sfence.sel $0x180000  }
0x40: {  	[bflag:$0x0] =	sbarrier.arrive $0xFFFF  }
0x41: {  	p0 =	sne.s32 s1, $0x0;
	_ =	strace $0x90000047  }
0x42: {  	s0 =	sadd.s32 @!p0 $0x100000, s0;
	[bflag:$0x2] =	sbarrier.arrive $0xFFFF  }
0x43: {  	[sflag:s0] =	ssyncadd.tile.s32 @!p0 $0x1;
	_ =	shalt  }
.Lfunc_end2:
_tile_overlayer_lowered:
.L_overlay_start_2:
0x44: {  	(tag) =	ssettag $0x2  }
0x45: {  	s0 =	rddreg [dreg:$0x0];
	s2 =	stileid.u32  }
0x46: {  	s1 =	rddreg [dreg:$0x1];
	p0 =	sne.s32 s2, $0x0  }
0x47: {  	s3 =	rddreg [dreg:$0x2];
	[bflag:$0x3] =	sbarrier.arrive $0xFFFF;
	s2 =	simm.s32 @!p0 $0x1C02  }
0x48: {  	[timem:s3], [sflag:s2] =	dma.local @!p0 [hbm:s0], s1  }
0x49: {  	s0 =	simm.s32 @!p0 $0x2  }
0x4a: {  	_ =	swait.ge @!p0 [sflag:s0], s1  }
0x4b: {  	s1 =	ssub.s32 @!p0 $0x0, s1;
	[sflag:s0] =	ssyncset.done @!p0 $0x0  }
0x4c: {  	[sflag:s0] =	ssyncadd.s32 @!p0 s1  }
0x4d: {  	[bflag:$0x3] =	sbarrier.arrive $0xFFFF  }
0x4e: {  	_ =	shalt  }

</sc_bundles>
